<compile_context>
chip_gen: v7x
topology: tpu7x:2x2x1
jax: 0.10.2.dev20260603
libtpu: 0.0.44.dev20260713+nightly
codegen_flags: <defaults>
</compile_context>

<pallas_src>
import functools

import jax
import jax.numpy as jnp
from jax.experimental import pallas as pl
from jax.experimental.pallas import tpu as pltpu
from jax.experimental.pallas import tpu_sc as plsc

_N = 5000
_C = 21
_MH = 14
_MW = 14
_PAD = 300
_ROWS = 40
_LANES = 128
_NP = _ROWS * _LANES
_NW = 32
_BPW = 16
_GPAD = _NW * _BPW
_D = _MH * _MW * _C
_DP = 4224
_SCPAD = _N + 8
_ZROW = _N + 4
_BIG = 2**30


def _nms_body(meta_ref, x1_ref, y1_ref, x2_ref, y2_ref, sc_ref, dl_ref,
              pb_ref, idx_ref, cnt_ref):
    scale = meta_ref[0, 2]
    h_img = meta_ref[0, 0]
    w_img = meta_ref[0, 1]
    x1 = x1_ref[...] / scale
    y1 = y1_ref[...] / scale
    x2 = x2_ref[...] / scale
    y2 = y2_ref[...] / scale
    wa = x2 - x1 + 1.0
    ha = y2 - y1 + 1.0
    cxa = x1 + 0.5 * wa
    cya = y1 + 0.5 * ha

    best = sc_ref[0]
    top = jnp.zeros((_ROWS, _LANES), jnp.int32)
    maxsc = sc_ref[1]
    for c in range(1, _C):
        plane = sc_ref[c]
        top = jnp.where(plane > best, c, top)
        best = jnp.maximum(best, plane)
        if c > 1:
            maxsc = jnp.maximum(maxsc, plane)

    dx = dl_ref[0]
    dy = dl_ref[1]
    dw = dl_ref[2]
    dh = dl_ref[3]
    for c in range(1, _C):
        sel = top == c
        dx = jnp.where(sel, dl_ref[4 * c + 0], dx)
        dy = jnp.where(sel, dl_ref[4 * c + 1], dy)
        dw = jnp.where(sel, dl_ref[4 * c + 2], dw)
        dh = jnp.where(sel, dl_ref[4 * c + 3], dh)

    cx = dx * wa + cxa
    cy = dy * ha + cya
    w = jnp.exp(dw) * wa
    h = jnp.exp(dh) * ha
    px1 = jnp.clip(cx - 0.5 * w, 0.0, w_img - 1.0)
    py1 = jnp.clip(cy - 0.5 * h, 0.0, h_img - 1.0)
    px2 = jnp.clip(cx + 0.5 * w, 0.0, w_img - 1.0)
    py2 = jnp.clip(cy + 0.5 * h, 0.0, h_img - 1.0)
    areas = (px2 - px1 + 1.0) * (py2 - py1 + 1.0)

    row = jax.lax.broadcasted_iota(jnp.int32, (_ROWS, _LANES), 0)
    lane = jax.lax.broadcasted_iota(jnp.int32, (_ROWS, _LANES), 1)
    fidx = row * _LANES + lane
    in_bounds = fidx < _N
    pb_ref[0] = jnp.where(in_bounds, px1, 0.0)
    pb_ref[1] = jnp.where(in_bounds, py1, 0.0)
    pb_ref[2] = jnp.where(in_bounds, px2, 0.0)
    pb_ref[3] = jnp.where(in_bounds, py2, 0.0)

    cand0 = jnp.where(in_bounds, 1.0, 0.0).astype(jnp.float32)
    neg_inf = jnp.float32(-jnp.inf)

    def _red(op, x):
        return op(op(x, axis=1, keepdims=True), axis=0, keepdims=True)

    def body(k, state):
        candf, cnt = state
        cand = candf > 0.0
        masked = jnp.where(cand, maxsc, neg_inf)
        m_val = _red(jnp.max, masked)
        is_m = (masked == m_val) & cand
        m_idx = _red(jnp.min, jnp.where(is_m, fidx, _BIG))
        sel = fidx == m_idx
        bx1 = _red(jnp.sum, jnp.where(sel, px1, 0.0))
        by1 = _red(jnp.sum, jnp.where(sel, py1, 0.0))
        bx2 = _red(jnp.sum, jnp.where(sel, px2, 0.0))
        by2 = _red(jnp.sum, jnp.where(sel, py2, 0.0))
        ba = _red(jnp.sum, jnp.where(sel, areas, 0.0))
        iw = jnp.maximum(jnp.minimum(bx2, px2) - jnp.maximum(bx1, px1) + 1.0,
                         0.0)
        ih = jnp.maximum(jnp.minimum(by2, py2) - jnp.maximum(by1, py1) + 1.0,
                         0.0)
        inter = iw * ih
        iou = inter / (ba + areas - inter)
        newcandf = jnp.where(cand & ~((iou > 0.5) | sel), 1.0, 0.0).astype(
            jnp.float32)
        m_scalar = m_idx[0, 0]
        alive = m_scalar < _BIG
        idx_ref[k] = jnp.where(alive, m_scalar, 0)
        return newcandf, cnt + jnp.where(alive, 1, 0).astype(jnp.int32)

    _, kfin = jax.lax.fori_loop(0, _PAD, body, (cand0, jnp.int32(0)))
    cnt_ref[0] = kfin

    def ztail(i, carry):
        idx_ref[i] = 0
        return carry

    jax.lax.fori_loop(_PAD, _GPAD, ztail, 0)


def _sc_gather(idx_hbm, cnt_hbm, pb_hbm, sc_hbm,
               sc_out, pb_out,
               idx_v, cnt_v, sc_v, pb_v):
    wid = jax.lax.axis_index("s") * 2 + jax.lax.axis_index("c")
    base = wid * _BPW
    pltpu.sync_copy(idx_hbm.at[pl.ds(base, _BPW)], idx_v)
    pltpu.sync_copy(cnt_hbm, cnt_v)
    idx = idx_v[...]
    cnt_vec = cnt_v[...]
    j16 = jax.lax.broadcasted_iota(jnp.int32, (_BPW,), 0)
    invalid = (j16 + base) >= cnt_vec
    idx_z = jnp.where(invalid, _ZROW, idx)
    pltpu.sync_copy(sc_hbm.at[idx_z], sc_v)
    pltpu.sync_copy(pb_hbm.at[idx_z], pb_v)
    pltpu.sync_copy(sc_v, sc_out.at[pl.ds(base, _BPW)])
    pltpu.sync_copy(pb_v, pb_out.at[pl.ds(base, _BPW)])


_MROWS = 20
_MGRID = _PAD // _MROWS


def _mask_gather_body(idx_ref, cnt_ref, *refs):
    i = pl.program_id(0)
    cnt = cnt_ref[0]
    ins = refs[:_MROWS]
    out = refs[_MROWS]
    for j in range(_MROWS):
        v = jnp.where(i * _MROWS + j < cnt, jnp.float32(1.0), jnp.float32(0.0))
        out[pl.ds(j, 1)] = ins[j][...] * v


@jax.jit
def kernel(metadata, deltas, proposals, scores, masks):
    p = proposals.reshape(_N, 4)
    pad = _NP - _N
    planes = [jnp.pad(p[:, k], (0, pad)).reshape(_ROWS, _LANES) for k in range(4)]
    sc = scores.reshape(_N, _C)
    sct = jnp.pad(sc.T, ((0, 0), (0, pad))).reshape(_C, _ROWS, _LANES)
    dlt = jnp.pad(deltas.reshape(_N, 4 * _C).T, ((0, 0), (0, pad))).reshape(
        4 * _C, _ROWS, _LANES)

    pb, idx, cnt = pl.pallas_call(
        _nms_body,
        out_shape=[
            jax.ShapeDtypeStruct((4, _ROWS, _LANES), jnp.float32),
            jax.ShapeDtypeStruct((_GPAD,), jnp.int32),
            jax.ShapeDtypeStruct((1,), jnp.int32),
        ],
        in_specs=[
            pl.BlockSpec(memory_space=pltpu.SMEM),
            pl.BlockSpec(memory_space=pltpu.VMEM),
            pl.BlockSpec(memory_space=pltpu.VMEM),
            pl.BlockSpec(memory_space=pltpu.VMEM),
            pl.BlockSpec(memory_space=pltpu.VMEM),
            pl.BlockSpec(memory_space=pltpu.VMEM),
            pl.BlockSpec(memory_space=pltpu.VMEM),
        ],
        out_specs=[
            pl.BlockSpec(memory_space=pltpu.VMEM),
            pl.BlockSpec(memory_space=pltpu.SMEM),
            pl.BlockSpec(memory_space=pltpu.SMEM),
        ],
    )(metadata, *planes, sct, dlt)

    pb_tab = jnp.pad(pb.reshape(4, _NP).T, ((0, 0), (0, 124)))
    sc_tab = jnp.pad(sc, ((0, _SCPAD - _N), (0, 128 - _C)))
    cnt16 = jnp.broadcast_to(cnt, (_BPW,)).astype(jnp.int32)

    sc_fn = pl.kernel(
        _sc_gather,
        out_type=[
            jax.ShapeDtypeStruct((_GPAD, 128), jnp.float32),
            jax.ShapeDtypeStruct((_GPAD, 128), jnp.float32),
        ],
        mesh=plsc.VectorSubcoreMesh(core_axis_name="c", subcore_axis_name="s"),
        scratch_types=[
            pltpu.VMEM((_BPW,), jnp.int32),
            pltpu.VMEM((_BPW,), jnp.int32),
            pltpu.VMEM((_BPW, 128), jnp.float32),
            pltpu.VMEM((_BPW, 128), jnp.float32),
        ],
    )
    sc_out, pb_out = sc_fn(idx, cnt16, pb_tab, sc_tab)

    def _in_map(j):
        return lambda i, idx, cnt: (idx[i * _MROWS + j], 0, 0, 0)

    grid_spec = pltpu.PrefetchScalarGridSpec(
        num_scalar_prefetch=2,
        grid=(_MGRID,),
        in_specs=[pl.BlockSpec((1, _MH, _MW, _C), _in_map(j))
                  for j in range(_MROWS)],
        out_specs=pl.BlockSpec((_MROWS, _MH, _MW, _C),
                               lambda i, idx, cnt: (i, 0, 0, 0)),
    )
    masks_out = pl.pallas_call(
        _mask_gather_body,
        grid_spec=grid_spec,
        out_shape=jax.ShapeDtypeStruct((_PAD, _MH, _MW, _C), jnp.float32),
    )(idx[:_PAD], cnt, *([masks[0]] * _MROWS))

    out_boxes = pb_out[:_PAD, :4][None]
    out_scores = sc_out[:_PAD, :_C][None]
    out_masks = masks_out[None]
    return out_boxes, out_scores, out_masks

# --- scband reference (transcript-rebuilt; emitter-appended) ---
"""Pipeline reference for scband-object-detection-57621281243681 (READ-ONLY COPY).

The authoritative reference and input builder live on the scoring server;
editing this copy changes nothing except your own understanding.
"""

import jax, jax.numpy as jnp
import numpy as np

N = 5000
C = 21
MH = 14
MW = 14
PAD = 300


def setup_inputs(seed: int = 0) -> dict:
    key = jax.random.key(seed)
    k1, k2, k3, k4, k5, k6, k7 = jax.random.split(key, 7)
    metadata = jnp.array([[1024.0, 1024.0, 1.0]], dtype=jnp.float32)
    x1 = jax.random.uniform(k1, (N,), dtype=jnp.float32) * 900.0
    y1 = jax.random.uniform(k2, (N,), dtype=jnp.float32) * 900.0
    bw = jax.random.uniform(k3, (N,), dtype=jnp.float32) * 120.0 + 4.0
    bh = jax.random.uniform(k4, (N,), dtype=jnp.float32) * 120.0 + 4.0
    proposals = jnp.stack([x1, y1, x1 + bw, y1 + bh], axis=1)[None]
    deltas = jax.random.normal(k5, (1, N, 4 * C), dtype=jnp.float32) * 0.1
    scores = jax.random.uniform(k6, (1, N, C), dtype=jnp.float32)
    masks = jax.random.uniform(k7, (1, N, MH, MW, C), dtype=jnp.float32)
    return {"metadata": metadata, "deltas": deltas, "proposals": proposals,
            "scores": scores, "masks": masks}


def reference(metadata, deltas, proposals, scores, masks):
    padding = PAD
    prop = proposals.reshape(-1, 4)
    n = prop.shape[0]
    boxes = prop / metadata[0, 2]
    d = deltas.reshape(n, -1, 4)
    wa = boxes[:, 2] - boxes[:, 0] + 1.0
    ha = boxes[:, 3] - boxes[:, 1] + 1.0
    cxa = boxes[:, 0] + 0.5 * wa
    cya = boxes[:, 1] + 0.5 * ha
    cx = d[..., 0] * wa[:, None] + cxa[:, None]
    cy = d[..., 1] * ha[:, None] + cya[:, None]
    w = jnp.exp(d[..., 2]) * wa[:, None]
    h = jnp.exp(d[..., 3]) * ha[:, None]
    pb = jnp.stack([cx - 0.5 * w, cy - 0.5 * h, cx + 0.5 * w, cy + 0.5 * h], axis=-1)
    Himg = metadata[0, 0]
    Wimg = metadata[0, 1]
    pb = jnp.stack([
        jnp.clip(pb[..., 0], 0.0, Wimg - 1.0),
        jnp.clip(pb[..., 1], 0.0, Himg - 1.0),
        jnp.clip(pb[..., 2], 0.0, Wimg - 1.0),
        jnp.clip(pb[..., 3], 0.0, Himg - 1.0),
    ], axis=-1)
    sc = scores.reshape(n, -1)
    top = jnp.argmax(sc, axis=1)
    pred_boxes = jnp.take_along_axis(pb, top[:, None, None], axis=1)[:, 0, :]
    max_scores = jnp.max(sc[:, 1:], axis=1)
    order = jnp.argsort(-max_scores)
    sb = jax.lax.stop_gradient(pred_boxes[order])
    areas = (sb[:, 2] - sb[:, 0] + 1.0) * (sb[:, 3] - sb[:, 1] + 1.0)
    idxs = jnp.arange(n)

    def body(keep, i):
        b = sb[i]
        xx1 = jnp.maximum(b[0], sb[:, 0])
        yy1 = jnp.maximum(b[1], sb[:, 1])
        xx2 = jnp.minimum(b[2], sb[:, 2])
        yy2 = jnp.minimum(b[3], sb[:, 3])
        iw = jnp.maximum(xx2 - xx1 + 1.0, 0.0)
        ih = jnp.maximum(yy2 - yy1 + 1.0, 0.0)
        inter = iw * ih
        iou = inter / (areas[i] + areas - inter)
        suppress = (iou > 0.5) & (idxs > i) & keep[i]
        return keep & (~suppress), None

    keep, _ = jax.lax.scan(body, jnp.ones((n,), dtype=bool), idxs)
    sel_key = jnp.where(keep, idxs, n + idxs)
    sel = jnp.argsort(sel_key)[:padding]
    nms_indices = order[sel]
    valid = (jnp.arange(padding) < keep.sum()).astype(pred_boxes.dtype)
    out_boxes = pred_boxes[nms_indices] * valid[:, None]
    out_scores = sc[nms_indices] * valid[:, None]
    out_masks = masks[0][nms_indices] * valid[:, None, None, None]
    return out_boxes[None], out_scores[None], out_masks[None]

if __name__ == "__main__":
    import jax
    _d = setup_inputs()
    print(jax.jit(kernel)(*tuple(_d.values())))

</pallas_src>

<mosaic_0001>
#map = affine_map<(d0, d1) -> (0)>
#map1 = affine_map<(d0, d1) -> (0, 0)>
module attributes {stable_mosaic.version = 14 : i64} {
  func.func @_sc_gather(%arg0: i32, %arg1: i32, %arg2: memref<512xi32, #tpu.memory_space<hbm>>, %arg3: memref<16xi32, #tpu.memory_space<hbm>>, %arg4: memref<5120x128xf32, #tpu.memory_space<hbm>>, %arg5: memref<5008x128xf32, #tpu.memory_space<hbm>>, %arg6: memref<512x128xf32, #tpu.memory_space<hbm>>, %arg7: memref<512x128xf32, #tpu.memory_space<hbm>>, %arg8: memref<16xi32, #tpu.memory_space<vmem>>, %arg9: memref<16xi32, #tpu.memory_space<vmem>>, %arg10: memref<16x128xf32, #tpu.memory_space<vmem>>, %arg11: memref<16x128xf32, #tpu.memory_space<vmem>>) attributes {dimension_semantics = [#tpu.dimension_semantics<core_parallel>, #tpu.dimension_semantics<subcore_parallel>], iteration_bounds = array<i64: 2, 16>, scalar_prefetch = 0 : i64, scratch_operands = 4 : i64, tpu.core_type = #tpu.core_type<sc_vector_subcore>, window_params = [{transform_indices = #map}, {transform_indices = #map}, {transform_indices = #map1}, {transform_indices = #map1}, {transform_indices = #map1}, {transform_indices = #map1}]} {
    %mul3A = arith.constant 2 : i32
    %mul3A_0 = arith.muli %arg1, %mul3A : i32
    %add3A = arith.addi %mul3A_0, %arg0 : i32
    %mul3A_1 = arith.constant 16 : i32
    %mul3A_2 = arith.muli %add3A, %mul3A_1 : i32
    "tpu.region"() ({
      %run_scoped3A = tpu.sem_alloc : memref<!tpu.dma_semaphore, #tpu.memory_space<semaphore_mem>>
      %dma_start3A = tpu.memref_slice %arg2[%mul3A_2] : memref<512xi32, #tpu.memory_space<hbm>> -> memref<16xi32, #tpu.memory_space<hbm>>
      %dma_start3A_10 = tpu.memref_slice %arg2[%mul3A_2] : memref<512xi32, #tpu.memory_space<hbm>> -> memref<16xi32, #tpu.memory_space<hbm>>
      tpu.enqueue_dma source(%dma_start3A_10 : memref<16xi32, #tpu.memory_space<hbm>>) target(%arg8 : memref<16xi32, #tpu.memory_space<vmem>>) target_semaphore(%run_scoped3A : memref<!tpu.dma_semaphore, #tpu.memory_space<semaphore_mem>>)
      %dma_wait3A = tpu.memref_slice %arg2[%mul3A_2] : memref<512xi32, #tpu.memory_space<hbm>> -> memref<16xi32, #tpu.memory_space<hbm>>
      %dma_wait3A_11 = tpu.memref_slice %arg2[%mul3A_2] : memref<512xi32, #tpu.memory_space<hbm>> -> memref<16xi32, #tpu.memory_space<hbm>>
      tpu.wait_dma2 semaphore(%run_scoped3A : memref<!tpu.dma_semaphore, #tpu.memory_space<semaphore_mem>>) src(%dma_wait3A_11 : memref<16xi32, #tpu.memory_space<hbm>>) dst(%arg8 : memref<16xi32, #tpu.memory_space<vmem>>)
      tpu.yield
    }) : () -> ()
    "tpu.region"() ({
      %run_scoped3A = tpu.sem_alloc : memref<!tpu.dma_semaphore, #tpu.memory_space<semaphore_mem>>
      tpu.enqueue_dma source(%arg3 : memref<16xi32, #tpu.memory_space<hbm>>) target(%arg9 : memref<16xi32, #tpu.memory_space<vmem>>) target_semaphore(%run_scoped3A : memref<!tpu.dma_semaphore, #tpu.memory_space<semaphore_mem>>)
      tpu.wait_dma2 semaphore(%run_scoped3A : memref<!tpu.dma_semaphore, #tpu.memory_space<semaphore_mem>>) src(%arg3 : memref<16xi32, #tpu.memory_space<hbm>>) dst(%arg9 : memref<16xi32, #tpu.memory_space<vmem>>)
      tpu.yield
    }) : () -> ()
    %get3A = arith.constant 0 : index
    %get3A_3 = tpu.vector_load %arg8[%get3A] {strides = array<i32>} : memref<16xi32, #tpu.memory_space<vmem>>, vector<16xi32>,
    %get3A_4 = vector.shape_cast %get3A_3 : vector<16xi32> to vector<16xi32>
    %get3A_5 = arith.constant 0 : index
    %get3A_6 = tpu.vector_load %arg9[%get3A_5] {strides = array<i32>} : memref<16xi32, #tpu.memory_space<vmem>>, vector<16xi32>,
    %get3A_7 = vector.shape_cast %get3A_6 : vector<16xi32> to vector<16xi32>
    %iota3A = tpu.iota {dimensions = array<i32: 0>} : vector<16xi32>
    %add3A_8 = vector.broadcast %mul3A_2 : i32 to vector<16xi32>
    %add3A_9 = arith.addi %iota3A, %add3A_8 : vector<16xi32>
    %ge3A = arith.cmpi sge, %add3A_9, %get3A_7 : vector<16xi32>
    %jit3A = arith.constant 5004 : i32
    %broadcast_in_dim3A = vector.broadcast %jit3A : i32 to vector<16xi32>
    %select_n3A = arith.select %ge3A, %broadcast_in_dim3A, %get3A_4 : vector<16xi1>, vector<16xi32>
    "tpu.region"() ({
      %run_scoped3A = tpu.sem_alloc : memref<!tpu.dma_semaphore, #tpu.memory_space<semaphore_mem>>
      %dma_start3A = arith.constant 0 : i32
      %dma_start3A_10 = arith.constant 0 : i32
      %dma_start3A_11 = tpu.memref_slice %arg5[%dma_start3A, %dma_start3A_10] : memref<5008x128xf32, #tpu.memory_space<hbm>> -> memref<5008x128xf32, #tpu.memory_space<hbm>>
      tpu.enqueue_indirect_dma source(%dma_start3A_11 : memref<5008x128xf32, #tpu.memory_space<hbm>>) target(%arg10 : memref<16x128xf32, #tpu.memory_space<vmem>>) offsets(%select_n3A : vector<16xi32>) semaphore(%run_scoped3A : memref<!tpu.dma_semaphore, #tpu.memory_space<semaphore_mem>>)
      %dma_wait3A = arith.constant 0 : i32
      %dma_wait3A_12 = arith.constant 0 : i32
      %dma_wait3A_13 = tpu.memref_slice %arg5[%dma_wait3A, %dma_wait3A_12] : memref<5008x128xf32, #tpu.memory_space<hbm>> -> memref<5008x128xf32, #tpu.memory_space<hbm>>
      tpu.wait_indirect_dma semaphore(%run_scoped3A : memref<!tpu.dma_semaphore, #tpu.memory_space<semaphore_mem>>) src(%dma_wait3A_13 : memref<5008x128xf32, #tpu.memory_space<hbm>>) dst(%arg10 : memref<16x128xf32, #tpu.memory_space<vmem>>)
      tpu.yield
    }) : () -> ()
    "tpu.region"() ({
      %run_scoped3A = tpu.sem_alloc : memref<!tpu.dma_semaphore, #tpu.memory_space<semaphore_mem>>
      %dma_start3A = arith.constant 0 : i32
      %dma_start3A_10 = arith.constant 0 : i32
      %dma_start3A_11 = tpu.memref_slice %arg4[%dma_start3A, %dma_start3A_10] : memref<5120x128xf32, #tpu.memory_space<hbm>> -> memref<5120x128xf32, #tpu.memory_space<hbm>>
      tpu.enqueue_indirect_dma source(%dma_start3A_11 : memref<5120x128xf32, #tpu.memory_space<hbm>>) target(%arg11 : memref<16x128xf32, #tpu.memory_space<vmem>>) offsets(%select_n3A : vector<16xi32>) semaphore(%run_scoped3A : memref<!tpu.dma_semaphore, #tpu.memory_space<semaphore_mem>>)
      %dma_wait3A = arith.constant 0 : i32
      %dma_wait3A_12 = arith.constant 0 : i32
      %dma_wait3A_13 = tpu.memref_slice %arg4[%dma_wait3A, %dma_wait3A_12] : memref<5120x128xf32, #tpu.memory_space<hbm>> -> memref<5120x128xf32, #tpu.memory_space<hbm>>
      tpu.wait_indirect_dma semaphore(%run_scoped3A : memref<!tpu.dma_semaphore, #tpu.memory_space<semaphore_mem>>) src(%dma_wait3A_13 : memref<5120x128xf32, #tpu.memory_space<hbm>>) dst(%arg11 : memref<16x128xf32, #tpu.memory_space<vmem>>)
      tpu.yield
    }) : () -> ()
    "tpu.region"() ({
      %run_scoped3A = tpu.sem_alloc : memref<!tpu.dma_semaphore, #tpu.memory_space<semaphore_mem>>
      %dma_start3A = arith.constant 0 : i32
      %dma_start3A_10 = tpu.memref_slice %arg6[%mul3A_2, %dma_start3A] : memref<512x128xf32, #tpu.memory_space<hbm>> -> memref<16x128xf32, #tpu.memory_space<hbm>>
      %dma_start3A_11 = arith.constant 0 : i32
      %dma_start3A_12 = tpu.memref_slice %arg6[%mul3A_2, %dma_start3A_11] : memref<512x128xf32, #tpu.memory_space<hbm>> -> memref<16x128xf32, #tpu.memory_space<hbm>>
      tpu.enqueue_dma source(%arg10 : memref<16x128xf32, #tpu.memory_space<vmem>>) target(%dma_start3A_12 : memref<16x128xf32, #tpu.memory_space<hbm>>) target_semaphore(%run_scoped3A : memref<!tpu.dma_semaphore, #tpu.memory_space<semaphore_mem>>)
      %dma_wait3A = arith.constant 0 : i32
      %dma_wait3A_13 = tpu.memref_slice %arg6[%mul3A_2, %dma_wait3A] : memref<512x128xf32, #tpu.memory_space<hbm>> -> memref<16x128xf32, #tpu.memory_space<hbm>>
      %dma_wait3A_14 = arith.constant 0 : i32
      %dma_wait3A_15 = tpu.memref_slice %arg6[%mul3A_2, %dma_wait3A_14] : memref<512x128xf32, #tpu.memory_space<hbm>> -> memref<16x128xf32, #tpu.memory_space<hbm>>
      tpu.wait_dma2 semaphore(%run_scoped3A : memref<!tpu.dma_semaphore, #tpu.memory_space<semaphore_mem>>) src(%arg10 : memref<16x128xf32, #tpu.memory_space<vmem>>) dst(%dma_wait3A_15 : memref<16x128xf32, #tpu.memory_space<hbm>>)
      tpu.yield
    }) : () -> ()
    "tpu.region"() ({
      %run_scoped3A = tpu.sem_alloc : memref<!tpu.dma_semaphore, #tpu.memory_space<semaphore_mem>>
      %dma_start3A = arith.constant 0 : i32
      %dma_start3A_10 = tpu.memref_slice %arg7[%mul3A_2, %dma_start3A] : memref<512x128xf32, #tpu.memory_space<hbm>> -> memref<16x128xf32, #tpu.memory_space<hbm>>
      %dma_start3A_11 = arith.constant 0 : i32
      %dma_start3A_12 = tpu.memref_slice %arg7[%mul3A_2, %dma_start3A_11] : memref<512x128xf32, #tpu.memory_space<hbm>> -> memref<16x128xf32, #tpu.memory_space<hbm>>
      tpu.enqueue_dma source(%arg11 : memref<16x128xf32, #tpu.memory_space<vmem>>) target(%dma_start3A_12 : memref<16x128xf32, #tpu.memory_space<hbm>>) target_semaphore(%run_scoped3A : memref<!tpu.dma_semaphore, #tpu.memory_space<semaphore_mem>>)
      %dma_wait3A = arith.constant 0 : i32
      %dma_wait3A_13 = tpu.memref_slice %arg7[%mul3A_2, %dma_wait3A] : memref<512x128xf32, #tpu.memory_space<hbm>> -> memref<16x128xf32, #tpu.memory_space<hbm>>
      %dma_wait3A_14 = arith.constant 0 : i32
      %dma_wait3A_15 = tpu.memref_slice %arg7[%mul3A_2, %dma_wait3A_14] : memref<512x128xf32, #tpu.memory_space<hbm>> -> memref<16x128xf32, #tpu.memory_space<hbm>>
      tpu.wait_dma2 semaphore(%run_scoped3A : memref<!tpu.dma_semaphore, #tpu.memory_space<semaphore_mem>>) src(%arg11 : memref<16x128xf32, #tpu.memory_space<vmem>>) dst(%dma_wait3A_15 : memref<16x128xf32, #tpu.memory_space<hbm>>)
      tpu.yield
    }) : () -> ()
    return
  }
}

module attributes {stable_mosaic.version = 14 : i64} {
  func.func @_nms_body(%arg0: memref<1x3xf32, #tpu.memory_space<smem>>, %arg1: memref<40x128xf32, #tpu.memory_space<vmem>>, %arg2: memref<40x128xf32, #tpu.memory_space<vmem>>, %arg3: memref<40x128xf32, #tpu.memory_space<vmem>>, %arg4: memref<40x128xf32, #tpu.memory_space<vmem>>, %arg5: memref<21x40x128xf32, #tpu.memory_space<vmem>>, %arg6: memref<84x40x128xf32, #tpu.memory_space<vmem>>, %arg7: memref<4x40x128xf32, #tpu.memory_space<vmem>>, %arg8: memref<512xi32, #tpu.memory_space<smem>>, %arg9: memref<1xi32, #tpu.memory_space<smem>>) attributes {dimension_semantics = [], scalar_prefetch = 0 : i64, scratch_operands = 0 : i64, tpu.core_type = #tpu.core_type<tc>} {
    %get3A = arith.constant 0 : index
    %get3A_0 = arith.constant 2 : index
    %get3A_1 = memref.load %arg0[%get3A, %get3A_0] : memref<1x3xf32, #tpu.memory_space<smem>>
    %get3A_2 = arith.constant 0 : index
    %get3A_3 = arith.constant 0 : index
    %get3A_4 = memref.load %arg0[%get3A_2, %get3A_3] : memref<1x3xf32, #tpu.memory_space<smem>>
    %get3A_5 = arith.constant 0 : index
    %get3A_6 = arith.constant 1 : index
    %get3A_7 = memref.load %arg0[%get3A_5, %get3A_6] : memref<1x3xf32, #tpu.memory_space<smem>>
    %get3A_8 = arith.constant 0 : index
    %get3A_9 = arith.constant 0 : index
    %get3A_10 = vector.load %arg1[%get3A_8, %get3A_9] : memref<40x128xf32, #tpu.memory_space<vmem>>, vector<40x128xf32>
    %div3A = vector.broadcast %get3A_1 : f32 to vector<40x128xf32>
    %div3A_11 = arith.divf %get3A_10, %div3A : vector<40x128xf32>
    %get3A_12 = arith.constant 0 : index
    %get3A_13 = arith.constant 0 : index
    %get3A_14 = vector.load %arg2[%get3A_12, %get3A_13] : memref<40x128xf32, #tpu.memory_space<vmem>>, vector<40x128xf32>
    %div3A_15 = vector.broadcast %get3A_1 : f32 to vector<40x128xf32>
    %div3A_16 = arith.divf %get3A_14, %div3A_15 : vector<40x128xf32>
    %get3A_17 = arith.constant 0 : index
    %get3A_18 = arith.constant 0 : index
    %get3A_19 = vector.load %arg3[%get3A_17, %get3A_18] : memref<40x128xf32, #tpu.memory_space<vmem>>, vector<40x128xf32>
    %div3A_20 = vector.broadcast %get3A_1 : f32 to vector<40x128xf32>
    %div3A_21 = arith.divf %get3A_19, %div3A_20 : vector<40x128xf32>
    %get3A_22 = arith.constant 0 : index
    %get3A_23 = arith.constant 0 : index
    %get3A_24 = vector.load %arg4[%get3A_22, %get3A_23] : memref<40x128xf32, #tpu.memory_space<vmem>>, vector<40x128xf32>
    %div3A_25 = vector.broadcast %get3A_1 : f32 to vector<40x128xf32>
    %div3A_26 = arith.divf %get3A_24, %div3A_25 : vector<40x128xf32>
    %sub3A = arith.subf %div3A_21, %div3A_11 : vector<40x128xf32>
    %add3A = arith.constant 1.000000e+00 : f32
    %add3A_27 = vector.broadcast %add3A : f32 to vector<40x128xf32>
    %add3A_28 = arith.addf %sub3A, %add3A_27 : vector<40x128xf32>
    %sub3A_29 = arith.subf %div3A_26, %div3A_16 : vector<40x128xf32>
    %add3A_30 = arith.constant 1.000000e+00 : f32
    %add3A_31 = vector.broadcast %add3A_30 : f32 to vector<40x128xf32>
    %add3A_32 = arith.addf %sub3A_29, %add3A_31 : vector<40x128xf32>
    %mul3A = arith.constant 5.000000e-01 : f32
    %mul3A_33 = vector.broadcast %mul3A : f32 to vector<40x128xf32>
    %mul3A_34 = arith.mulf %mul3A_33, %add3A_28 : vector<40x128xf32>
    %add3A_35 = arith.addf %div3A_11, %mul3A_34 : vector<40x128xf32>
    %mul3A_36 = arith.constant 5.000000e-01 : f32
    %mul3A_37 = vector.broadcast %mul3A_36 : f32 to vector<40x128xf32>
    %mul3A_38 = arith.mulf %mul3A_37, %add3A_32 : vector<40x128xf32>
    %add3A_39 = arith.addf %div3A_16, %mul3A_38 : vector<40x128xf32>
    %get3A_40 = arith.constant 0 : index
    %get3A_41 = arith.constant 0 : index
    %get3A_42 = arith.constant 0 : index
    %get3A_43 = vector.load %arg5[%get3A_40, %get3A_41, %get3A_42] : memref<21x40x128xf32, #tpu.memory_space<vmem>>, vector<1x40x128xf32>
    %get3A_44 = vector.shape_cast %get3A_43 : vector<1x40x128xf32> to vector<40x128xf32>
    %broadcast_in_dim3A = arith.constant 0 : i32
    %broadcast_in_dim3A_45 = vector.broadcast %broadcast_in_dim3A : i32 to vector<40x128xi32>
    %get3A_46 = arith.constant 1 : index
    %get3A_47 = arith.constant 0 : index
    %get3A_48 = arith.constant 0 : index
    %get3A_49 = vector.load %arg5[%get3A_46, %get3A_47, %get3A_48] : memref<21x40x128xf32, #tpu.memory_space<vmem>>, vector<1x40x128xf32>
    %get3A_50 = vector.shape_cast %get3A_49 : vector<1x40x128xf32> to vector<40x128xf32>
    %get3A_51 = arith.constant 1 : index
    %get3A_52 = arith.constant 0 : index
    %get3A_53 = arith.constant 0 : index
    %get3A_54 = vector.load %arg5[%get3A_51, %get3A_52, %get3A_53] : memref<21x40x128xf32, #tpu.memory_space<vmem>>, vector<1x40x128xf32>
    %get3A_55 = vector.shape_cast %get3A_54 : vector<1x40x128xf32> to vector<40x128xf32>
    %gt3A = arith.cmpf ogt, %get3A_55, %get3A_44 : vector<40x128xf32>
    %jit3A = arith.constant 1 : i32
    %broadcast_in_dim3A_56 = vector.broadcast %jit3A : i32 to vector<40x128xi32>
    %select_n3A = arith.select %gt3A, %broadcast_in_dim3A_56, %broadcast_in_dim3A_45 : vector<40x128xi1>, vector<40x128xi32>
    %max3A = arith.maximumf %get3A_44, %get3A_55 : vector<40x128xf32>
    %get3A_57 = arith.constant 2 : index
    %get3A_58 = arith.constant 0 : index
    %get3A_59 = arith.constant 0 : index
    %get3A_60 = vector.load %arg5[%get3A_57, %get3A_58, %get3A_59] : memref<21x40x128xf32, #tpu.memory_space<vmem>>, vector<1x40x128xf32>
    %get3A_61 = vector.shape_cast %get3A_60 : vector<1x40x128xf32> to vector<40x128xf32>
    %gt3A_62 = arith.cmpf ogt, %get3A_61, %max3A : vector<40x128xf32>
    %jit3A_63 = arith.constant 2 : i32
    %broadcast_in_dim3A_64 = vector.broadcast %jit3A_63 : i32 to vector<40x128xi32>
    %select_n3A_65 = arith.select %gt3A_62, %broadcast_in_dim3A_64, %select_n3A : vector<40x128xi1>, vector<40x128xi32>
    %max3A_66 = arith.maximumf %max3A, %get3A_61 : vector<40x128xf32>
    %max3A_67 = arith.maximumf %get3A_50, %get3A_61 : vector<40x128xf32>
    %get3A_68 = arith.constant 3 : index
    %get3A_69 = arith.constant 0 : index
    %get3A_70 = arith.constant 0 : index
    %get3A_71 = vector.load %arg5[%get3A_68, %get3A_69, %get3A_70] : memref<21x40x128xf32, #tpu.memory_space<vmem>>, vector<1x40x128xf32>
    %get3A_72 = vector.shape_cast %get3A_71 : vector<1x40x128xf32> to vector<40x128xf32>
    %gt3A_73 = arith.cmpf ogt, %get3A_72, %max3A_66 : vector<40x128xf32>
    %jit3A_74 = arith.constant 3 : i32
    %broadcast_in_dim3A_75 = vector.broadcast %jit3A_74 : i32 to vector<40x128xi32>
    %select_n3A_76 = arith.select %gt3A_73, %broadcast_in_dim3A_75, %select_n3A_65 : vector<40x128xi1>, vector<40x128xi32>
    %max3A_77 = arith.maximumf %max3A_66, %get3A_72 : vector<40x128xf32>
    %max3A_78 = arith.maximumf %max3A_67, %get3A_72 : vector<40x128xf32>
    %get3A_79 = arith.constant 4 : index
    %get3A_80 = arith.constant 0 : index
    %get3A_81 = arith.constant 0 : index
    %get3A_82 = vector.load %arg5[%get3A_79, %get3A_80, %get3A_81] : memref<21x40x128xf32, #tpu.memory_space<vmem>>, vector<1x40x128xf32>
    %get3A_83 = vector.shape_cast %get3A_82 : vector<1x40x128xf32> to vector<40x128xf32>
    %gt3A_84 = arith.cmpf ogt, %get3A_83, %max3A_77 : vector<40x128xf32>
    %jit3A_85 = arith.constant 4 : i32
    %broadcast_in_dim3A_86 = vector.broadcast %jit3A_85 : i32 to vector<40x128xi32>
    %select_n3A_87 = arith.select %gt3A_84, %broadcast_in_dim3A_86, %select_n3A_76 : vector<40x128xi1>, vector<40x128xi32>
    %max3A_88 = arith.maximumf %max3A_77, %get3A_83 : vector<40x128xf32>
    %max3A_89 = arith.maximumf %max3A_78, %get3A_83 : vector<40x128xf32>
    %get3A_90 = arith.constant 5 : index
    %get3A_91 = arith.constant 0 : index
    %get3A_92 = arith.constant 0 : index
    %get3A_93 = vector.load %arg5[%get3A_90, %get3A_91, %get3A_92] : memref<21x40x128xf32, #tpu.memory_space<vmem>>, vector<1x40x128xf32>
    %get3A_94 = vector.shape_cast %get3A_93 : vector<1x40x128xf32> to vector<40x128xf32>
    %gt3A_95 = arith.cmpf ogt, %get3A_94, %max3A_88 : vector<40x128xf32>
    %jit3A_96 = arith.constant 5 : i32
    %broadcast_in_dim3A_97 = vector.broadcast %jit3A_96 : i32 to vector<40x128xi32>
    %select_n3A_98 = arith.select %gt3A_95, %broadcast_in_dim3A_97, %select_n3A_87 : vector<40x128xi1>, vector<40x128xi32>
    %max3A_99 = arith.maximumf %max3A_88, %get3A_94 : vector<40x128xf32>
    %max3A_100 = arith.maximumf %max3A_89, %get3A_94 : vector<40x128xf32>
    %get3A_101 = arith.constant 6 : index
    %get3A_102 = arith.constant 0 : index
    %get3A_103 = arith.constant 0 : index
    %get3A_104 = vector.load %arg5[%get3A_101, %get3A_102, %get3A_103] : memref<21x40x128xf32, #tpu.memory_space<vmem>>, vector<1x40x128xf32>
    %get3A_105 = vector.shape_cast %get3A_104 : vector<1x40x128xf32> to vector<40x128xf32>
    %gt3A_106 = arith.cmpf ogt, %get3A_105, %max3A_99 : vector<40x128xf32>
    %jit3A_107 = arith.constant 6 : i32
    %broadcast_in_dim3A_108 = vector.broadcast %jit3A_107 : i32 to vector<40x128xi32>
    %select_n3A_109 = arith.select %gt3A_106, %broadcast_in_dim3A_108, %select_n3A_98 : vector<40x128xi1>, vector<40x128xi32>
    %max3A_110 = arith.maximumf %max3A_99, %get3A_105 : vector<40x128xf32>
    %max3A_111 = arith.maximumf %max3A_100, %get3A_105 : vector<40x128xf32>
    %get3A_112 = arith.constant 7 : index
    %get3A_113 = arith.constant 0 : index
    %get3A_114 = arith.constant 0 : index
    %get3A_115 = vector.load %arg5[%get3A_112, %get3A_113, %get3A_114] : memref<21x40x128xf32, #tpu.memory_space<vmem>>, vector<1x40x128xf32>
    %get3A_116 = vector.shape_cast %get3A_115 : vector<1x40x128xf32> to vector<40x128xf32>
    %gt3A_117 = arith.cmpf ogt, %get3A_116, %max3A_110 : vector<40x128xf32>
    %jit3A_118 = arith.constant 7 : i32
    %broadcast_in_dim3A_119 = vector.broadcast %jit3A_118 : i32 to vector<40x128xi32>
    %select_n3A_120 = arith.select %gt3A_117, %broadcast_in_dim3A_119, %select_n3A_109 : vector<40x128xi1>, vector<40x128xi32>
    %max3A_121 = arith.maximumf %max3A_110, %get3A_116 : vector<40x128xf32>
    %max3A_122 = arith.maximumf %max3A_111, %get3A_116 : vector<40x128xf32>
    %get3A_123 = arith.constant 8 : index
    %get3A_124 = arith.constant 0 : index
    %get3A_125 = arith.constant 0 : index
    %get3A_126 = vector.load %arg5[%get3A_123, %get3A_124, %get3A_125] : memref<21x40x128xf32, #tpu.memory_space<vmem>>, vector<1x40x128xf32>
    %get3A_127 = vector.shape_cast %get3A_126 : vector<1x40x128xf32> to vector<40x128xf32>
    %gt3A_128 = arith.cmpf ogt, %get3A_127, %max3A_121 : vector<40x128xf32>
    %jit3A_129 = arith.constant 8 : i32
    %broadcast_in_dim3A_130 = vector.broadcast %jit3A_129 : i32 to vector<40x128xi32>
    %select_n3A_131 = arith.select %gt3A_128, %broadcast_in_dim3A_130, %select_n3A_120 : vector<40x128xi1>, vector<40x128xi32>
    %max3A_132 = arith.maximumf %max3A_121, %get3A_127 : vector<40x128xf32>
    %max3A_133 = arith.maximumf %max3A_122, %get3A_127 : vector<40x128xf32>
    %get3A_134 = arith.constant 9 : index
    %get3A_135 = arith.constant 0 : index
    %get3A_136 = arith.constant 0 : index
    %get3A_137 = vector.load %arg5[%get3A_134, %get3A_135, %get3A_136] : memref<21x40x128xf32, #tpu.memory_space<vmem>>, vector<1x40x128xf32>
    %get3A_138 = vector.shape_cast %get3A_137 : vector<1x40x128xf32> to vector<40x128xf32>
    %gt3A_139 = arith.cmpf ogt, %get3A_138, %max3A_132 : vector<40x128xf32>
    %jit3A_140 = arith.constant 9 : i32
    %broadcast_in_dim3A_141 = vector.broadcast %jit3A_140 : i32 to vector<40x128xi32>
    %select_n3A_142 = arith.select %gt3A_139, %broadcast_in_dim3A_141, %select_n3A_131 : vector<40x128xi1>, vector<40x128xi32>
    %max3A_143 = arith.maximumf %max3A_132, %get3A_138 : vector<40x128xf32>
    %max3A_144 = arith.maximumf %max3A_133, %get3A_138 : vector<40x128xf32>
    %get3A_145 = arith.constant 10 : index
    %get3A_146 = arith.constant 0 : index
    %get3A_147 = arith.constant 0 : index
    %get3A_148 = vector.load %arg5[%get3A_145, %get3A_146, %get3A_147] : memref<21x40x128xf32, #tpu.memory_space<vmem>>, vector<1x40x128xf32>
    %get3A_149 = vector.shape_cast %get3A_148 : vector<1x40x128xf32> to vector<40x128xf32>
    %gt3A_150 = arith.cmpf ogt, %get3A_149, %max3A_143 : vector<40x128xf32>
    %jit3A_151 = arith.constant 10 : i32
    %broadcast_in_dim3A_152 = vector.broadcast %jit3A_151 : i32 to vector<40x128xi32>
    %select_n3A_153 = arith.select %gt3A_150, %broadcast_in_dim3A_152, %select_n3A_142 : vector<40x128xi1>, vector<40x128xi32>
    %max3A_154 = arith.maximumf %max3A_143, %get3A_149 : vector<40x128xf32>
    %max3A_155 = arith.maximumf %max3A_144, %get3A_149 : vector<40x128xf32>
    %get3A_156 = arith.constant 11 : index
    %get3A_157 = arith.constant 0 : index
    %get3A_158 = arith.constant 0 : index
    %get3A_159 = vector.load %arg5[%get3A_156, %get3A_157, %get3A_158] : memref<21x40x128xf32, #tpu.memory_space<vmem>>, vector<1x40x128xf32>
    %get3A_160 = vector.shape_cast %get3A_159 : vector<1x40x128xf32> to vector<40x128xf32>
    %gt3A_161 = arith.cmpf ogt, %get3A_160, %max3A_154 : vector<40x128xf32>
    %jit3A_162 = arith.constant 11 : i32
    %broadcast_in_dim3A_163 = vector.broadcast %jit3A_162 : i32 to vector<40x128xi32>
    %select_n3A_164 = arith.select %gt3A_161, %broadcast_in_dim3A_163, %select_n3A_153 : vector<40x128xi1>, vector<40x128xi32>
    %max3A_165 = arith.maximumf %max3A_154, %get3A_160 : vector<40x128xf32>
    %max3A_166 = arith.maximumf %max3A_155, %get3A_160 : vector<40x128xf32>
    %get3A_167 = arith.constant 12 : index
    %get3A_168 = arith.constant 0 : index
    %get3A_169 = arith.constant 0 : index
    %get3A_170 = vector.load %arg5[%get3A_167, %get3A_168, %get3A_169] : memref<21x40x128xf32, #tpu.memory_space<vmem>>, vector<1x40x128xf32>
    %get3A_171 = vector.shape_cast %get3A_170 : vector<1x40x128xf32> to vector<40x128xf32>
    %gt3A_172 = arith.cmpf ogt, %get3A_171, %max3A_165 : vector<40x128xf32>
    %jit3A_173 = arith.constant 12 : i32
    %broadcast_in_dim3A_174 = vector.broadcast %jit3A_173 : i32 to vector<40x128xi32>
    %select_n3A_175 = arith.select %gt3A_172, %broadcast_in_dim3A_174, %select_n3A_164 : vector<40x128xi1>, vector<40x128xi32>
    %max3A_176 = arith.maximumf %max3A_165, %get3A_171 : vector<40x128xf32>
    %max3A_177 = arith.maximumf %max3A_166, %get3A_171 : vector<40x128xf32>
    %get3A_178 = arith.constant 13 : index
    %get3A_179 = arith.constant 0 : index
    %get3A_180 = arith.constant 0 : index
    %get3A_181 = vector.load %arg5[%get3A_178, %get3A_179, %get3A_180] : memref<21x40x128xf32, #tpu.memory_space<vmem>>, vector<1x40x128xf32>
    %get3A_182 = vector.shape_cast %get3A_181 : vector<1x40x128xf32> to vector<40x128xf32>
    %gt3A_183 = arith.cmpf ogt, %get3A_182, %max3A_176 : vector<40x128xf32>
    %jit3A_184 = arith.constant 13 : i32
    %broadcast_in_dim3A_185 = vector.broadcast %jit3A_184 : i32 to vector<40x128xi32>
    %select_n3A_186 = arith.select %gt3A_183, %broadcast_in_dim3A_185, %select_n3A_175 : vector<40x128xi1>, vector<40x128xi32>
    %max3A_187 = arith.maximumf %max3A_176, %get3A_182 : vector<40x128xf32>
    %max3A_188 = arith.maximumf %max3A_177, %get3A_182 : vector<40x128xf32>
    %get3A_189 = arith.constant 14 : index
    %get3A_190 = arith.constant 0 : index
    %get3A_191 = arith.constant 0 : index
    %get3A_192 = vector.load %arg5[%get3A_189, %get3A_190, %get3A_191] : memref<21x40x128xf32, #tpu.memory_space<vmem>>, vector<1x40x128xf32>
    %get3A_193 = vector.shape_cast %get3A_192 : vector<1x40x128xf32> to vector<40x128xf32>
    %gt3A_194 = arith.cmpf ogt, %get3A_193, %max3A_187 : vector<40x128xf32>
    %jit3A_195 = arith.constant 14 : i32
    %broadcast_in_dim3A_196 = vector.broadcast %jit3A_195 : i32 to vector<40x128xi32>
    %select_n3A_197 = arith.select %gt3A_194, %broadcast_in_dim3A_196, %select_n3A_186 : vector<40x128xi1>, vector<40x128xi32>
    %max3A_198 = arith.maximumf %max3A_187, %get3A_193 : vector<40x128xf32>
    %max3A_199 = arith.maximumf %max3A_188, %get3A_193 : vector<40x128xf32>
    %get3A_200 = arith.constant 15 : index
    %get3A_201 = arith.constant 0 : index
    %get3A_202 = arith.constant 0 : index
    %get3A_203 = vector.load %arg5[%get3A_200, %get3A_201, %get3A_202] : memref<21x40x128xf32, #tpu.memory_space<vmem>>, vector<1x40x128xf32>
    %get3A_204 = vector.shape_cast %get3A_203 : vector<1x40x128xf32> to vector<40x128xf32>
    %gt3A_205 = arith.cmpf ogt, %get3A_204, %max3A_198 : vector<40x128xf32>
    %jit3A_206 = arith.constant 15 : i32
    %broadcast_in_dim3A_207 = vector.broadcast %jit3A_206 : i32 to vector<40x128xi32>
    %select_n3A_208 = arith.select %gt3A_205, %broadcast_in_dim3A_207, %select_n3A_197 : vector<40x128xi1>, vector<40x128xi32>
    %max3A_209 = arith.maximumf %max3A_198, %get3A_204 : vector<40x128xf32>
    %max3A_210 = arith.maximumf %max3A_199, %get3A_204 : vector<40x128xf32>
    %get3A_211 = arith.constant 16 : index
    %get3A_212 = arith.constant 0 : index
    %get3A_213 = arith.constant 0 : index
    %get3A_214 = vector.load %arg5[%get3A_211, %get3A_212, %get3A_213] : memref<21x40x128xf32, #tpu.memory_space<vmem>>, vector<1x40x128xf32>
    %get3A_215 = vector.shape_cast %get3A_214 : vector<1x40x128xf32> to vector<40x128xf32>
    %gt3A_216 = arith.cmpf ogt, %get3A_215, %max3A_209 : vector<40x128xf32>
    %jit3A_217 = arith.constant 16 : i32
    %broadcast_in_dim3A_218 = vector.broadcast %jit3A_217 : i32 to vector<40x128xi32>
    %select_n3A_219 = arith.select %gt3A_216, %broadcast_in_dim3A_218, %select_n3A_208 : vector<40x128xi1>, vector<40x128xi32>
    %max3A_220 = arith.maximumf %max3A_209, %get3A_215 : vector<40x128xf32>
    %max3A_221 = arith.maximumf %max3A_210, %get3A_215 : vector<40x128xf32>
    %get3A_222 = arith.constant 17 : index
    %get3A_223 = arith.constant 0 : index
    %get3A_224 = arith.constant 0 : index
    %get3A_225 = vector.load %arg5[%get3A_222, %get3A_223, %get3A_224] : memref<21x40x128xf32, #tpu.memory_space<vmem>>, vector<1x40x128xf32>
    %get3A_226 = vector.shape_cast %get3A_225 : vector<1x40x128xf32> to vector<40x128xf32>
    %gt3A_227 = arith.cmpf ogt, %get3A_226, %max3A_220 : vector<40x128xf32>
    %jit3A_228 = arith.constant 17 : i32
    %broadcast_in_dim3A_229 = vector.broadcast %jit3A_228 : i32 to vector<40x128xi32>
    %select_n3A_230 = arith.select %gt3A_227, %broadcast_in_dim3A_229, %select_n3A_219 : vector<40x128xi1>, vector<40x128xi32>
    %max3A_231 = arith.maximumf %max3A_220, %get3A_226 : vector<40x128xf32>
    %max3A_232 = arith.maximumf %max3A_221, %get3A_226 : vector<40x128xf32>
    %get3A_233 = arith.constant 18 : index
    %get3A_234 = arith.constant 0 : index
    %get3A_235 = arith.constant 0 : index
    %get3A_236 = vector.load %arg5[%get3A_233, %get3A_234, %get3A_235] : memref<21x40x128xf32, #tpu.memory_space<vmem>>, vector<1x40x128xf32>
    %get3A_237 = vector.shape_cast %get3A_236 : vector<1x40x128xf32> to vector<40x128xf32>
    %gt3A_238 = arith.cmpf ogt, %get3A_237, %max3A_231 : vector<40x128xf32>
    %jit3A_239 = arith.constant 18 : i32
    %broadcast_in_dim3A_240 = vector.broadcast %jit3A_239 : i32 to vector<40x128xi32>
    %select_n3A_241 = arith.select %gt3A_238, %broadcast_in_dim3A_240, %select_n3A_230 : vector<40x128xi1>, vector<40x128xi32>
    %max3A_242 = arith.maximumf %max3A_231, %get3A_237 : vector<40x128xf32>
    %max3A_243 = arith.maximumf %max3A_232, %get3A_237 : vector<40x128xf32>
    %get3A_244 = arith.constant 19 : index
    %get3A_245 = arith.constant 0 : index
    %get3A_246 = arith.constant 0 : index
    %get3A_247 = vector.load %arg5[%get3A_244, %get3A_245, %get3A_246] : memref<21x40x128xf32, #tpu.memory_space<vmem>>, vector<1x40x128xf32>
    %get3A_248 = vector.shape_cast %get3A_247 : vector<1x40x128xf32> to vector<40x128xf32>
    %gt3A_249 = arith.cmpf ogt, %get3A_248, %max3A_242 : vector<40x128xf32>
    %jit3A_250 = arith.constant 19 : i32
    %broadcast_in_dim3A_251 = vector.broadcast %jit3A_250 : i32 to vector<40x128xi32>
    %select_n3A_252 = arith.select %gt3A_249, %broadcast_in_dim3A_251, %select_n3A_241 : vector<40x128xi1>, vector<40x128xi32>
    %max3A_253 = arith.maximumf %max3A_242, %get3A_248 : vector<40x128xf32>
    %max3A_254 = arith.maximumf %max3A_243, %get3A_248 : vector<40x128xf32>
    %get3A_255 = arith.constant 20 : index
    %get3A_256 = arith.constant 0 : index
    %get3A_257 = arith.constant 0 : index
    %get3A_258 = vector.load %arg5[%get3A_255, %get3A_256, %get3A_257] : memref<21x40x128xf32, #tpu.memory_space<vmem>>, vector<1x40x128xf32>
    %get3A_259 = vector.shape_cast %get3A_258 : vector<1x40x128xf32> to vector<40x128xf32>
    %gt3A_260 = arith.cmpf ogt, %get3A_259, %max3A_253 : vector<40x128xf32>
    %jit3A_261 = arith.constant 20 : i32
    %broadcast_in_dim3A_262 = vector.broadcast %jit3A_261 : i32 to vector<40x128xi32>
    %select_n3A_263 = arith.select %gt3A_260, %broadcast_in_dim3A_262, %select_n3A_252 : vector<40x128xi1>, vector<40x128xi32>
    %max3A_264 = arith.maximumf %max3A_254, %get3A_259 : vector<40x128xf32>
    %get3A_265 = arith.constant 0 : index
    %get3A_266 = arith.constant 0 : index
    %get3A_267 = arith.constant 0 : index
    %get3A_268 = vector.load %arg6[%get3A_265, %get3A_266, %get3A_267] : memref<84x40x128xf32, #tpu.memory_space<vmem>>, vector<1x40x128xf32>
    %get3A_269 = vector.shape_cast %get3A_268 : vector<1x40x128xf32> to vector<40x128xf32>
    %get3A_270 = arith.constant 1 : index
    %get3A_271 = arith.constant 0 : index
    %get3A_272 = arith.constant 0 : index
    %get3A_273 = vector.load %arg6[%get3A_270, %get3A_271, %get3A_272] : memref<84x40x128xf32, #tpu.memory_space<vmem>>, vector<1x40x128xf32>
    %get3A_274 = vector.shape_cast %get3A_273 : vector<1x40x128xf32> to vector<40x128xf32>
    %get3A_275 = arith.constant 2 : index
    %get3A_276 = arith.constant 0 : index
    %get3A_277 = arith.constant 0 : index
    %get3A_278 = vector.load %arg6[%get3A_275, %get3A_276, %get3A_277] : memref<84x40x128xf32, #tpu.memory_space<vmem>>, vector<1x40x128xf32>
    %get3A_279 = vector.shape_cast %get3A_278 : vector<1x40x128xf32> to vector<40x128xf32>
    %get3A_280 = arith.constant 3 : index
    %get3A_281 = arith.constant 0 : index
    %get3A_282 = arith.constant 0 : index
    %get3A_283 = vector.load %arg6[%get3A_280, %get3A_281, %get3A_282] : memref<84x40x128xf32, #tpu.memory_space<vmem>>, vector<1x40x128xf32>
    %get3A_284 = vector.shape_cast %get3A_283 : vector<1x40x128xf32> to vector<40x128xf32>
    %eq3A = arith.constant 1 : i32
    %eq3A_285 = vector.broadcast %eq3A : i32 to vector<40x128xi32>
    %eq3A_286 = arith.cmpi eq, %select_n3A_263, %eq3A_285 : vector<40x128xi32>
    %get3A_287 = arith.constant 4 : index
    %get3A_288 = arith.constant 0 : index
    %get3A_289 = arith.constant 0 : index
    %get3A_290 = vector.load %arg6[%get3A_287, %get3A_288, %get3A_289] : memref<84x40x128xf32, #tpu.memory_space<vmem>>, vector<1x40x128xf32>
    %get3A_291 = vector.shape_cast %get3A_290 : vector<1x40x128xf32> to vector<40x128xf32>
    %select_n3A_292 = arith.select %eq3A_286, %get3A_291, %get3A_269 : vector<40x128xi1>, vector<40x128xf32>
    %get3A_293 = arith.constant 5 : index
    %get3A_294 = arith.constant 0 : index
    %get3A_295 = arith.constant 0 : index
    %get3A_296 = vector.load %arg6[%get3A_293, %get3A_294, %get3A_295] : memref<84x40x128xf32, #tpu.memory_space<vmem>>, vector<1x40x128xf32>
    %get3A_297 = vector.shape_cast %get3A_296 : vector<1x40x128xf32> to vector<40x128xf32>
    %select_n3A_298 = arith.select %eq3A_286, %get3A_297, %get3A_274 : vector<40x128xi1>, vector<40x128xf32>
    %get3A_299 = arith.constant 6 : index
    %get3A_300 = arith.constant 0 : index
    %get3A_301 = arith.constant 0 : index
    %get3A_302 = vector.load %arg6[%get3A_299, %get3A_300, %get3A_301] : memref<84x40x128xf32, #tpu.memory_space<vmem>>, vector<1x40x128xf32>
    %get3A_303 = vector.shape_cast %get3A_302 : vector<1x40x128xf32> to vector<40x128xf32>
    %select_n3A_304 = arith.select %eq3A_286, %get3A_303, %get3A_279 : vector<40x128xi1>, vector<40x128xf32>
    %get3A_305 = arith.constant 7 : index
    %get3A_306 = arith.constant 0 : index
    %get3A_307 = arith.constant 0 : index
    %get3A_308 = vector.load %arg6[%get3A_305, %get3A_306, %get3A_307] : memref<84x40x128xf32, #tpu.memory_space<vmem>>, vector<1x40x128xf32>
    %get3A_309 = vector.shape_cast %get3A_308 : vector<1x40x128xf32> to vector<40x128xf32>
    %select_n3A_310 = arith.select %eq3A_286, %get3A_309, %get3A_284 : vector<40x128xi1>, vector<40x128xf32>
    %eq3A_311 = arith.constant 2 : i32
    %eq3A_312 = vector.broadcast %eq3A_311 : i32 to vector<40x128xi32>
    %eq3A_313 = arith.cmpi eq, %select_n3A_263, %eq3A_312 : vector<40x128xi32>
    %get3A_314 = arith.constant 8 : index
    %get3A_315 = arith.constant 0 : index
    %get3A_316 = arith.constant 0 : index
    %get3A_317 = vector.load %arg6[%get3A_314, %get3A_315, %get3A_316] : memref<84x40x128xf32, #tpu.memory_space<vmem>>, vector<1x40x128xf32>
    %get3A_318 = vector.shape_cast %get3A_317 : vector<1x40x128xf32> to vector<40x128xf32>
    %select_n3A_319 = arith.select %eq3A_313, %get3A_318, %select_n3A_292 : vector<40x128xi1>, vector<40x128xf32>
    %get3A_320 = arith.constant 9 : index
    %get3A_321 = arith.constant 0 : index
    %get3A_322 = arith.constant 0 : index
    %get3A_323 = vector.load %arg6[%get3A_320, %get3A_321, %get3A_322] : memref<84x40x128xf32, #tpu.memory_space<vmem>>, vector<1x40x128xf32>
    %get3A_324 = vector.shape_cast %get3A_323 : vector<1x40x128xf32> to vector<40x128xf32>
    %select_n3A_325 = arith.select %eq3A_313, %get3A_324, %select_n3A_298 : vector<40x128xi1>, vector<40x128xf32>
    %get3A_326 = arith.constant 10 : index
    %get3A_327 = arith.constant 0 : index
    %get3A_328 = arith.constant 0 : index
    %get3A_329 = vector.load %arg6[%get3A_326, %get3A_327, %get3A_328] : memref<84x40x128xf32, #tpu.memory_space<vmem>>, vector<1x40x128xf32>
    %get3A_330 = vector.shape_cast %get3A_329 : vector<1x40x128xf32> to vector<40x128xf32>
    %select_n3A_331 = arith.select %eq3A_313, %get3A_330, %select_n3A_304 : vector<40x128xi1>, vector<40x128xf32>
    %get3A_332 = arith.constant 11 : index
    %get3A_333 = arith.constant 0 : index
    %get3A_334 = arith.constant 0 : index
    %get3A_335 = vector.load %arg6[%get3A_332, %get3A_333, %get3A_334] : memref<84x40x128xf32, #tpu.memory_space<vmem>>, vector<1x40x128xf32>
    %get3A_336 = vector.shape_cast %get3A_335 : vector<1x40x128xf32> to vector<40x128xf32>
    %select_n3A_337 = arith.select %eq3A_313, %get3A_336, %select_n3A_310 : vector<40x128xi1>, vector<40x128xf32>
    %eq3A_338 = arith.constant 3 : i32
    %eq3A_339 = vector.broadcast %eq3A_338 : i32 to vector<40x128xi32>
    %eq3A_340 = arith.cmpi eq, %select_n3A_263, %eq3A_339 : vector<40x128xi32>
    %get3A_341 = arith.constant 12 : index
    %get3A_342 = arith.constant 0 : index
    %get3A_343 = arith.constant 0 : index
    %get3A_344 = vector.load %arg6[%get3A_341, %get3A_342, %get3A_343] : memref<84x40x128xf32, #tpu.memory_space<vmem>>, vector<1x40x128xf32>
    %get3A_345 = vector.shape_cast %get3A_344 : vector<1x40x128xf32> to vector<40x128xf32>
    %select_n3A_346 = arith.select %eq3A_340, %get3A_345, %select_n3A_319 : vector<40x128xi1>, vector<40x128xf32>
    %get3A_347 = arith.constant 13 : index
    %get3A_348 = arith.constant 0 : index
    %get3A_349 = arith.constant 0 : index
    %get3A_350 = vector.load %arg6[%get3A_347, %get3A_348, %get3A_349] : memref<84x40x128xf32, #tpu.memory_space<vmem>>, vector<1x40x128xf32>
    %get3A_351 = vector.shape_cast %get3A_350 : vector<1x40x128xf32> to vector<40x128xf32>
    %select_n3A_352 = arith.select %eq3A_340, %get3A_351, %select_n3A_325 : vector<40x128xi1>, vector<40x128xf32>
    %get3A_353 = arith.constant 14 : index
    %get3A_354 = arith.constant 0 : index
    %get3A_355 = arith.constant 0 : index
    %get3A_356 = vector.load %arg6[%get3A_353, %get3A_354, %get3A_355] : memref<84x40x128xf32, #tpu.memory_space<vmem>>, vector<1x40x128xf32>
    %get3A_357 = vector.shape_cast %get3A_356 : vector<1x40x128xf32> to vector<40x128xf32>
    %select_n3A_358 = arith.select %eq3A_340, %get3A_357, %select_n3A_331 : vector<40x128xi1>, vector<40x128xf32>
    %get3A_359 = arith.constant 15 : index
    %get3A_360 = arith.constant 0 : index
    %get3A_361 = arith.constant 0 : index
    %get3A_362 = vector.load %arg6[%get3A_359, %get3A_360, %get3A_361] : memref<84x40x128xf32, #tpu.memory_space<vmem>>, vector<1x40x128xf32>
    %get3A_363 = vector.shape_cast %get3A_362 : vector<1x40x128xf32> to vector<40x128xf32>
    %select_n3A_364 = arith.select %eq3A_340, %get3A_363, %select_n3A_337 : vector<40x128xi1>, vector<40x128xf32>
    %eq3A_365 = arith.constant 4 : i32
    %eq3A_366 = vector.broadcast %eq3A_365 : i32 to vector<40x128xi32>
    %eq3A_367 = arith.cmpi eq, %select_n3A_263, %eq3A_366 : vector<40x128xi32>
    %get3A_368 = arith.constant 16 : index
    %get3A_369 = arith.constant 0 : index
    %get3A_370 = arith.constant 0 : index
    %get3A_371 = vector.load %arg6[%get3A_368, %get3A_369, %get3A_370] : memref<84x40x128xf32, #tpu.memory_space<vmem>>, vector<1x40x128xf32>
    %get3A_372 = vector.shape_cast %get3A_371 : vector<1x40x128xf32> to vector<40x128xf32>
    %select_n3A_373 = arith.select %eq3A_367, %get3A_372, %select_n3A_346 : vector<40x128xi1>, vector<40x128xf32>
    %get3A_374 = arith.constant 17 : index
    %get3A_375 = arith.constant 0 : index
    %get3A_376 = arith.constant 0 : index
    %get3A_377 = vector.load %arg6[%get3A_374, %get3A_375, %get3A_376] : memref<84x40x128xf32, #tpu.memory_space<vmem>>, vector<1x40x128xf32>
    %get3A_378 = vector.shape_cast %get3A_377 : vector<1x40x128xf32> to vector<40x128xf32>
    %select_n3A_379 = arith.select %eq3A_367, %get3A_378, %select_n3A_352 : vector<40x128xi1>, vector<40x128xf32>
    %get3A_380 = arith.constant 18 : index
    %get3A_381 = arith.constant 0 : index
    %get3A_382 = arith.constant 0 : index
    %get3A_383 = vector.load %arg6[%get3A_380, %get3A_381, %get3A_382] : memref<84x40x128xf32, #tpu.memory_space<vmem>>, vector<1x40x128xf32>
    %get3A_384 = vector.shape_cast %get3A_383 : vector<1x40x128xf32> to vector<40x128xf32>
    %select_n3A_385 = arith.select %eq3A_367, %get3A_384, %select_n3A_358 : vector<40x128xi1>, vector<40x128xf32>
    %get3A_386 = arith.constant 19 : index
    %get3A_387 = arith.constant 0 : index
    %get3A_388 = arith.constant 0 : index
    %get3A_389 = vector.load %arg6[%get3A_386, %get3A_387, %get3A_388] : memref<84x40x128xf32, #tpu.memory_space<vmem>>, vector<1x40x128xf32>
    %get3A_390 = vector.shape_cast %get3A_389 : vector<1x40x128xf32> to vector<40x128xf32>
    %select_n3A_391 = arith.select %eq3A_367, %get3A_390, %select_n3A_364 : vector<40x128xi1>, vector<40x128xf32>
    %eq3A_392 = arith.constant 5 : i32
    %eq3A_393 = vector.broadcast %eq3A_392 : i32 to vector<40x128xi32>
    %eq3A_394 = arith.cmpi eq, %select_n3A_263, %eq3A_393 : vector<40x128xi32>
    %get3A_395 = arith.constant 20 : index
    %get3A_396 = arith.constant 0 : index
    %get3A_397 = arith.constant 0 : index
    %get3A_398 = vector.load %arg6[%get3A_395, %get3A_396, %get3A_397] : memref<84x40x128xf32, #tpu.memory_space<vmem>>, vector<1x40x128xf32>
    %get3A_399 = vector.shape_cast %get3A_398 : vector<1x40x128xf32> to vector<40x128xf32>
    %select_n3A_400 = arith.select %eq3A_394, %get3A_399, %select_n3A_373 : vector<40x128xi1>, vector<40x128xf32>
    %get3A_401 = arith.constant 21 : index
    %get3A_402 = arith.constant 0 : index
    %get3A_403 = arith.constant 0 : index
    %get3A_404 = vector.load %arg6[%get3A_401, %get3A_402, %get3A_403] : memref<84x40x128xf32, #tpu.memory_space<vmem>>, vector<1x40x128xf32>
    %get3A_405 = vector.shape_cast %get3A_404 : vector<1x40x128xf32> to vector<40x128xf32>
    %select_n3A_406 = arith.select %eq3A_394, %get3A_405, %select_n3A_379 : vector<40x128xi1>, vector<40x128xf32>
    %get3A_407 = arith.constant 22 : index
    %get3A_408 = arith.constant 0 : index
    %get3A_409 = arith.constant 0 : index
    %get3A_410 = vector.load %arg6[%get3A_407, %get3A_408, %get3A_409] : memref<84x40x128xf32, #tpu.memory_space<vmem>>, vector<1x40x128xf32>
    %get3A_411 = vector.shape_cast %get3A_410 : vector<1x40x128xf32> to vector<40x128xf32>
    %select_n3A_412 = arith.select %eq3A_394, %get3A_411, %select_n3A_385 : vector<40x128xi1>, vector<40x128xf32>
    %get3A_413 = arith.constant 23 : index
    %get3A_414 = arith.constant 0 : index
    %get3A_415 = arith.constant 0 : index
    %get3A_416 = vector.load %arg6[%get3A_413, %get3A_414, %get3A_415] : memref<84x40x128xf32, #tpu.memory_space<vmem>>, vector<1x40x128xf32>
    %get3A_417 = vector.shape_cast %get3A_416 : vector<1x40x128xf32> to vector<40x128xf32>
    %select_n3A_418 = arith.select %eq3A_394, %get3A_417, %select_n3A_391 : vector<40x128xi1>, vector<40x128xf32>
    %eq3A_419 = arith.constant 6 : i32
    %eq3A_420 = vector.broadcast %eq3A_419 : i32 to vector<40x128xi32>
    %eq3A_421 = arith.cmpi eq, %select_n3A_263, %eq3A_420 : vector<40x128xi32>
    %get3A_422 = arith.constant 24 : index
    %get3A_423 = arith.constant 0 : index
    %get3A_424 = arith.constant 0 : index
    %get3A_425 = vector.load %arg6[%get3A_422, %get3A_423, %get3A_424] : memref<84x40x128xf32, #tpu.memory_space<vmem>>, vector<1x40x128xf32>
    %get3A_426 = vector.shape_cast %get3A_425 : vector<1x40x128xf32> to vector<40x128xf32>
    %select_n3A_427 = arith.select %eq3A_421, %get3A_426, %select_n3A_400 : vector<40x128xi1>, vector<40x128xf32>
    %get3A_428 = arith.constant 25 : index
    %get3A_429 = arith.constant 0 : index
    %get3A_430 = arith.constant 0 : index
    %get3A_431 = vector.load %arg6[%get3A_428, %get3A_429, %get3A_430] : memref<84x40x128xf32, #tpu.memory_space<vmem>>, vector<1x40x128xf32>
    %get3A_432 = vector.shape_cast %get3A_431 : vector<1x40x128xf32> to vector<40x128xf32>
    %select_n3A_433 = arith.select %eq3A_421, %get3A_432, %select_n3A_406 : vector<40x128xi1>, vector<40x128xf32>
    %get3A_434 = arith.constant 26 : index
    %get3A_435 = arith.constant 0 : index
    %get3A_436 = arith.constant 0 : index
    %get3A_437 = vector.load %arg6[%get3A_434, %get3A_435, %get3A_436] : memref<84x40x128xf32, #tpu.memory_space<vmem>>, vector<1x40x128xf32>
    %get3A_438 = vector.shape_cast %get3A_437 : vector<1x40x128xf32> to vector<40x128xf32>
    %select_n3A_439 = arith.select %eq3A_421, %get3A_438, %select_n3A_412 : vector<40x128xi1>, vector<40x128xf32>
    %get3A_440 = arith.constant 27 : index
    %get3A_441 = arith.constant 0 : index
    %get3A_442 = arith.constant 0 : index
    %get3A_443 = vector.load %arg6[%get3A_440, %get3A_441, %get3A_442] : memref<84x40x128xf32, #tpu.memory_space<vmem>>, vector<1x40x128xf32>
    %get3A_444 = vector.shape_cast %get3A_443 : vector<1x40x128xf32> to vector<40x128xf32>
    %select_n3A_445 = arith.select %eq3A_421, %get3A_444, %select_n3A_418 : vector<40x128xi1>, vector<40x128xf32>
    %eq3A_446 = arith.constant 7 : i32
    %eq3A_447 = vector.broadcast %eq3A_446 : i32 to vector<40x128xi32>
    %eq3A_448 = arith.cmpi eq, %select_n3A_263, %eq3A_447 : vector<40x128xi32>
    %get3A_449 = arith.constant 28 : index
    %get3A_450 = arith.constant 0 : index
    %get3A_451 = arith.constant 0 : index
    %get3A_452 = vector.load %arg6[%get3A_449, %get3A_450, %get3A_451] : memref<84x40x128xf32, #tpu.memory_space<vmem>>, vector<1x40x128xf32>
    %get3A_453 = vector.shape_cast %get3A_452 : vector<1x40x128xf32> to vector<40x128xf32>
    %select_n3A_454 = arith.select %eq3A_448, %get3A_453, %select_n3A_427 : vector<40x128xi1>, vector<40x128xf32>
    %get3A_455 = arith.constant 29 : index
    %get3A_456 = arith.constant 0 : index
    %get3A_457 = arith.constant 0 : index
    %get3A_458 = vector.load %arg6[%get3A_455, %get3A_456, %get3A_457] : memref<84x40x128xf32, #tpu.memory_space<vmem>>, vector<1x40x128xf32>
    %get3A_459 = vector.shape_cast %get3A_458 : vector<1x40x128xf32> to vector<40x128xf32>
    %select_n3A_460 = arith.select %eq3A_448, %get3A_459, %select_n3A_433 : vector<40x128xi1>, vector<40x128xf32>
    %get3A_461 = arith.constant 30 : index
    %get3A_462 = arith.constant 0 : index
    %get3A_463 = arith.constant 0 : index
    %get3A_464 = vector.load %arg6[%get3A_461, %get3A_462, %get3A_463] : memref<84x40x128xf32, #tpu.memory_space<vmem>>, vector<1x40x128xf32>
    %get3A_465 = vector.shape_cast %get3A_464 : vector<1x40x128xf32> to vector<40x128xf32>
    %select_n3A_466 = arith.select %eq3A_448, %get3A_465, %select_n3A_439 : vector<40x128xi1>, vector<40x128xf32>
    %get3A_467 = arith.constant 31 : index
    %get3A_468 = arith.constant 0 : index
    %get3A_469 = arith.constant 0 : index
    %get3A_470 = vector.load %arg6[%get3A_467, %get3A_468, %get3A_469] : memref<84x40x128xf32, #tpu.memory_space<vmem>>, vector<1x40x128xf32>
    %get3A_471 = vector.shape_cast %get3A_470 : vector<1x40x128xf32> to vector<40x128xf32>
    %select_n3A_472 = arith.select %eq3A_448, %get3A_471, %select_n3A_445 : vector<40x128xi1>, vector<40x128xf32>
    %eq3A_473 = arith.constant 8 : i32
    %eq3A_474 = vector.broadcast %eq3A_473 : i32 to vector<40x128xi32>
    %eq3A_475 = arith.cmpi eq, %select_n3A_263, %eq3A_474 : vector<40x128xi32>
    %get3A_476 = arith.constant 32 : index
    %get3A_477 = arith.constant 0 : index
    %get3A_478 = arith.constant 0 : index
    %get3A_479 = vector.load %arg6[%get3A_476, %get3A_477, %get3A_478] : memref<84x40x128xf32, #tpu.memory_space<vmem>>, vector<1x40x128xf32>
    %get3A_480 = vector.shape_cast %get3A_479 : vector<1x40x128xf32> to vector<40x128xf32>
    %select_n3A_481 = arith.select %eq3A_475, %get3A_480, %select_n3A_454 : vector<40x128xi1>, vector<40x128xf32>
    %get3A_482 = arith.constant 33 : index
    %get3A_483 = arith.constant 0 : index
    %get3A_484 = arith.constant 0 : index
    %get3A_485 = vector.load %arg6[%get3A_482, %get3A_483, %get3A_484] : memref<84x40x128xf32, #tpu.memory_space<vmem>>, vector<1x40x128xf32>
    %get3A_486 = vector.shape_cast %get3A_485 : vector<1x40x128xf32> to vector<40x128xf32>
    %select_n3A_487 = arith.select %eq3A_475, %get3A_486, %select_n3A_460 : vector<40x128xi1>, vector<40x128xf32>
    %get3A_488 = arith.constant 34 : index
    %get3A_489 = arith.constant 0 : index
    %get3A_490 = arith.constant 0 : index
    %get3A_491 = vector.load %arg6[%get3A_488, %get3A_489, %get3A_490] : memref<84x40x128xf32, #tpu.memory_space<vmem>>, vector<1x40x128xf32>
    %get3A_492 = vector.shape_cast %get3A_491 : vector<1x40x128xf32> to vector<40x128xf32>
    %select_n3A_493 = arith.select %eq3A_475, %get3A_492, %select_n3A_466 : vector<40x128xi1>, vector<40x128xf32>
    %get3A_494 = arith.constant 35 : index
    %get3A_495 = arith.constant 0 : index
    %get3A_496 = arith.constant 0 : index
    %get3A_497 = vector.load %arg6[%get3A_494, %get3A_495, %get3A_496] : memref<84x40x128xf32, #tpu.memory_space<vmem>>, vector<1x40x128xf32>
    %get3A_498 = vector.shape_cast %get3A_497 : vector<1x40x128xf32> to vector<40x128xf32>
    %select_n3A_499 = arith.select %eq3A_475, %get3A_498, %select_n3A_472 : vector<40x128xi1>, vector<40x128xf32>
    %eq3A_500 = arith.constant 9 : i32
    %eq3A_501 = vector.broadcast %eq3A_500 : i32 to vector<40x128xi32>
    %eq3A_502 = arith.cmpi eq, %select_n3A_263, %eq3A_501 : vector<40x128xi32>
    %get3A_503 = arith.constant 36 : index
    %get3A_504 = arith.constant 0 : index
    %get3A_505 = arith.constant 0 : index
    %get3A_506 = vector.load %arg6[%get3A_503, %get3A_504, %get3A_505] : memref<84x40x128xf32, #tpu.memory_space<vmem>>, vector<1x40x128xf32>
    %get3A_507 = vector.shape_cast %get3A_506 : vector<1x40x128xf32> to vector<40x128xf32>
    %select_n3A_508 = arith.select %eq3A_502, %get3A_507, %select_n3A_481 : vector<40x128xi1>, vector<40x128xf32>
    %get3A_509 = arith.constant 37 : index
    %get3A_510 = arith.constant 0 : index
    %get3A_511 = arith.constant 0 : index
    %get3A_512 = vector.load %arg6[%get3A_509, %get3A_510, %get3A_511] : memref<84x40x128xf32, #tpu.memory_space<vmem>>, vector<1x40x128xf32>
    %get3A_513 = vector.shape_cast %get3A_512 : vector<1x40x128xf32> to vector<40x128xf32>
    %select_n3A_514 = arith.select %eq3A_502, %get3A_513, %select_n3A_487 : vector<40x128xi1>, vector<40x128xf32>
    %get3A_515 = arith.constant 38 : index
    %get3A_516 = arith.constant 0 : index
    %get3A_517 = arith.constant 0 : index
    %get3A_518 = vector.load %arg6[%get3A_515, %get3A_516, %get3A_517] : memref<84x40x128xf32, #tpu.memory_space<vmem>>, vector<1x40x128xf32>
    %get3A_519 = vector.shape_cast %get3A_518 : vector<1x40x128xf32> to vector<40x128xf32>
    %select_n3A_520 = arith.select %eq3A_502, %get3A_519, %select_n3A_493 : vector<40x128xi1>, vector<40x128xf32>
    %get3A_521 = arith.constant 39 : index
    %get3A_522 = arith.constant 0 : index
    %get3A_523 = arith.constant 0 : index
    %get3A_524 = vector.load %arg6[%get3A_521, %get3A_522, %get3A_523] : memref<84x40x128xf32, #tpu.memory_space<vmem>>, vector<1x40x128xf32>
    %get3A_525 = vector.shape_cast %get3A_524 : vector<1x40x128xf32> to vector<40x128xf32>
    %select_n3A_526 = arith.select %eq3A_502, %get3A_525, %select_n3A_499 : vector<40x128xi1>, vector<40x128xf32>
    %eq3A_527 = arith.constant 10 : i32
    %eq3A_528 = vector.broadcast %eq3A_527 : i32 to vector<40x128xi32>
    %eq3A_529 = arith.cmpi eq, %select_n3A_263, %eq3A_528 : vector<40x128xi32>
    %get3A_530 = arith.constant 40 : index
    %get3A_531 = arith.constant 0 : index
    %get3A_532 = arith.constant 0 : index
    %get3A_533 = vector.load %arg6[%get3A_530, %get3A_531, %get3A_532] : memref<84x40x128xf32, #tpu.memory_space<vmem>>, vector<1x40x128xf32>
    %get3A_534 = vector.shape_cast %get3A_533 : vector<1x40x128xf32> to vector<40x128xf32>
    %select_n3A_535 = arith.select %eq3A_529, %get3A_534, %select_n3A_508 : vector<40x128xi1>, vector<40x128xf32>
    %get3A_536 = arith.constant 41 : index
    %get3A_537 = arith.constant 0 : index
    %get3A_538 = arith.constant 0 : index
    %get3A_539 = vector.load %arg6[%get3A_536, %get3A_537, %get3A_538] : memref<84x40x128xf32, #tpu.memory_space<vmem>>, vector<1x40x128xf32>
    %get3A_540 = vector.shape_cast %get3A_539 : vector<1x40x128xf32> to vector<40x128xf32>
    %select_n3A_541 = arith.select %eq3A_529, %get3A_540, %select_n3A_514 : vector<40x128xi1>, vector<40x128xf32>
    %get3A_542 = arith.constant 42 : index
    %get3A_543 = arith.constant 0 : index
    %get3A_544 = arith.constant 0 : index
    %get3A_545 = vector.load %arg6[%get3A_542, %get3A_543, %get3A_544] : memref<84x40x128xf32, #tpu.memory_space<vmem>>, vector<1x40x128xf32>
    %get3A_546 = vector.shape_cast %get3A_545 : vector<1x40x128xf32> to vector<40x128xf32>
    %select_n3A_547 = arith.select %eq3A_529, %get3A_546, %select_n3A_520 : vector<40x128xi1>, vector<40x128xf32>
    %get3A_548 = arith.constant 43 : index
    %get3A_549 = arith.constant 0 : index
    %get3A_550 = arith.constant 0 : index
    %get3A_551 = vector.load %arg6[%get3A_548, %get3A_549, %get3A_550] : memref<84x40x128xf32, #tpu.memory_space<vmem>>, vector<1x40x128xf32>
    %get3A_552 = vector.shape_cast %get3A_551 : vector<1x40x128xf32> to vector<40x128xf32>
    %select_n3A_553 = arith.select %eq3A_529, %get3A_552, %select_n3A_526 : vector<40x128xi1>, vector<40x128xf32>
    %eq3A_554 = arith.constant 11 : i32
    %eq3A_555 = vector.broadcast %eq3A_554 : i32 to vector<40x128xi32>
    %eq3A_556 = arith.cmpi eq, %select_n3A_263, %eq3A_555 : vector<40x128xi32>
    %get3A_557 = arith.constant 44 : index
    %get3A_558 = arith.constant 0 : index
    %get3A_559 = arith.constant 0 : index
    %get3A_560 = vector.load %arg6[%get3A_557, %get3A_558, %get3A_559] : memref<84x40x128xf32, #tpu.memory_space<vmem>>, vector<1x40x128xf32>
    %get3A_561 = vector.shape_cast %get3A_560 : vector<1x40x128xf32> to vector<40x128xf32>
    %select_n3A_562 = arith.select %eq3A_556, %get3A_561, %select_n3A_535 : vector<40x128xi1>, vector<40x128xf32>
    %get3A_563 = arith.constant 45 : index
    %get3A_564 = arith.constant 0 : index
    %get3A_565 = arith.constant 0 : index
    %get3A_566 = vector.load %arg6[%get3A_563, %get3A_564, %get3A_565] : memref<84x40x128xf32, #tpu.memory_space<vmem>>, vector<1x40x128xf32>
    %get3A_567 = vector.shape_cast %get3A_566 : vector<1x40x128xf32> to vector<40x128xf32>
    %select_n3A_568 = arith.select %eq3A_556, %get3A_567, %select_n3A_541 : vector<40x128xi1>, vector<40x128xf32>
    %get3A_569 = arith.constant 46 : index
    %get3A_570 = arith.constant 0 : index
    %get3A_571 = arith.constant 0 : index
    %get3A_572 = vector.load %arg6[%get3A_569, %get3A_570, %get3A_571] : memref<84x40x128xf32, #tpu.memory_space<vmem>>, vector<1x40x128xf32>
    %get3A_573 = vector.shape_cast %get3A_572 : vector<1x40x128xf32> to vector<40x128xf32>
    %select_n3A_574 = arith.select %eq3A_556, %get3A_573, %select_n3A_547 : vector<40x128xi1>, vector<40x128xf32>
    %get3A_575 = arith.constant 47 : index
    %get3A_576 = arith.constant 0 : index
    %get3A_577 = arith.constant 0 : index
    %get3A_578 = vector.load %arg6[%get3A_575, %get3A_576, %get3A_577] : memref<84x40x128xf32, #tpu.memory_space<vmem>>, vector<1x40x128xf32>
    %get3A_579 = vector.shape_cast %get3A_578 : vector<1x40x128xf32> to vector<40x128xf32>
    %select_n3A_580 = arith.select %eq3A_556, %get3A_579, %select_n3A_553 : vector<40x128xi1>, vector<40x128xf32>
    %eq3A_581 = arith.constant 12 : i32
    %eq3A_582 = vector.broadcast %eq3A_581 : i32 to vector<40x128xi32>
    %eq3A_583 = arith.cmpi eq, %select_n3A_263, %eq3A_582 : vector<40x128xi32>
    %get3A_584 = arith.constant 48 : index
    %get3A_585 = arith.constant 0 : index
    %get3A_586 = arith.constant 0 : index
    %get3A_587 = vector.load %arg6[%get3A_584, %get3A_585, %get3A_586] : memref<84x40x128xf32, #tpu.memory_space<vmem>>, vector<1x40x128xf32>
    %get3A_588 = vector.shape_cast %get3A_587 : vector<1x40x128xf32> to vector<40x128xf32>
    %select_n3A_589 = arith.select %eq3A_583, %get3A_588, %select_n3A_562 : vector<40x128xi1>, vector<40x128xf32>
    %get3A_590 = arith.constant 49 : index
    %get3A_591 = arith.constant 0 : index
    %get3A_592 = arith.constant 0 : index
    %get3A_593 = vector.load %arg6[%get3A_590, %get3A_591, %get3A_592] : memref<84x40x128xf32, #tpu.memory_space<vmem>>, vector<1x40x128xf32>
    %get3A_594 = vector.shape_cast %get3A_593 : vector<1x40x128xf32> to vector<40x128xf32>
    %select_n3A_595 = arith.select %eq3A_583, %get3A_594, %select_n3A_568 : vector<40x128xi1>, vector<40x128xf32>
    %get3A_596 = arith.constant 50 : index
    %get3A_597 = arith.constant 0 : index
    %get3A_598 = arith.constant 0 : index
    %get3A_599 = vector.load %arg6[%get3A_596, %get3A_597, %get3A_598] : memref<84x40x128xf32, #tpu.memory_space<vmem>>, vector<1x40x128xf32>
    %get3A_600 = vector.shape_cast %get3A_599 : vector<1x40x128xf32> to vector<40x128xf32>
    %select_n3A_601 = arith.select %eq3A_583, %get3A_600, %select_n3A_574 : vector<40x128xi1>, vector<40x128xf32>
    %get3A_602 = arith.constant 51 : index
    %get3A_603 = arith.constant 0 : index
    %get3A_604 = arith.constant 0 : index
    %get3A_605 = vector.load %arg6[%get3A_602, %get3A_603, %get3A_604] : memref<84x40x128xf32, #tpu.memory_space<vmem>>, vector<1x40x128xf32>
    %get3A_606 = vector.shape_cast %get3A_605 : vector<1x40x128xf32> to vector<40x128xf32>
    %select_n3A_607 = arith.select %eq3A_583, %get3A_606, %select_n3A_580 : vector<40x128xi1>, vector<40x128xf32>
    %eq3A_608 = arith.constant 13 : i32
    %eq3A_609 = vector.broadcast %eq3A_608 : i32 to vector<40x128xi32>
    %eq3A_610 = arith.cmpi eq, %select_n3A_263, %eq3A_609 : vector<40x128xi32>
    %get3A_611 = arith.constant 52 : index
    %get3A_612 = arith.constant 0 : index
    %get3A_613 = arith.constant 0 : index
    %get3A_614 = vector.load %arg6[%get3A_611, %get3A_612, %get3A_613] : memref<84x40x128xf32, #tpu.memory_space<vmem>>, vector<1x40x128xf32>
    %get3A_615 = vector.shape_cast %get3A_614 : vector<1x40x128xf32> to vector<40x128xf32>
    %select_n3A_616 = arith.select %eq3A_610, %get3A_615, %select_n3A_589 : vector<40x128xi1>, vector<40x128xf32>
    %get3A_617 = arith.constant 53 : index
    %get3A_618 = arith.constant 0 : index
    %get3A_619 = arith.constant 0 : index
    %get3A_620 = vector.load %arg6[%get3A_617, %get3A_618, %get3A_619] : memref<84x40x128xf32, #tpu.memory_space<vmem>>, vector<1x40x128xf32>
    %get3A_621 = vector.shape_cast %get3A_620 : vector<1x40x128xf32> to vector<40x128xf32>
    %select_n3A_622 = arith.select %eq3A_610, %get3A_621, %select_n3A_595 : vector<40x128xi1>, vector<40x128xf32>
    %get3A_623 = arith.constant 54 : index
    %get3A_624 = arith.constant 0 : index
    %get3A_625 = arith.constant 0 : index
    %get3A_626 = vector.load %arg6[%get3A_623, %get3A_624, %get3A_625] : memref<84x40x128xf32, #tpu.memory_space<vmem>>, vector<1x40x128xf32>
    %get3A_627 = vector.shape_cast %get3A_626 : vector<1x40x128xf32> to vector<40x128xf32>
    %select_n3A_628 = arith.select %eq3A_610, %get3A_627, %select_n3A_601 : vector<40x128xi1>, vector<40x128xf32>
    %get3A_629 = arith.constant 55 : index
    %get3A_630 = arith.constant 0 : index
    %get3A_631 = arith.constant 0 : index
    %get3A_632 = vector.load %arg6[%get3A_629, %get3A_630, %get3A_631] : memref<84x40x128xf32, #tpu.memory_space<vmem>>, vector<1x40x128xf32>
    %get3A_633 = vector.shape_cast %get3A_632 : vector<1x40x128xf32> to vector<40x128xf32>
    %select_n3A_634 = arith.select %eq3A_610, %get3A_633, %select_n3A_607 : vector<40x128xi1>, vector<40x128xf32>
    %eq3A_635 = arith.constant 14 : i32
    %eq3A_636 = vector.broadcast %eq3A_635 : i32 to vector<40x128xi32>
    %eq3A_637 = arith.cmpi eq, %select_n3A_263, %eq3A_636 : vector<40x128xi32>
    %get3A_638 = arith.constant 56 : index
    %get3A_639 = arith.constant 0 : index
    %get3A_640 = arith.constant 0 : index
    %get3A_641 = vector.load %arg6[%get3A_638, %get3A_639, %get3A_640] : memref<84x40x128xf32, #tpu.memory_space<vmem>>, vector<1x40x128xf32>
    %get3A_642 = vector.shape_cast %get3A_641 : vector<1x40x128xf32> to vector<40x128xf32>
    %select_n3A_643 = arith.select %eq3A_637, %get3A_642, %select_n3A_616 : vector<40x128xi1>, vector<40x128xf32>
    %get3A_644 = arith.constant 57 : index
    %get3A_645 = arith.constant 0 : index
    %get3A_646 = arith.constant 0 : index
    %get3A_647 = vector.load %arg6[%get3A_644, %get3A_645, %get3A_646] : memref<84x40x128xf32, #tpu.memory_space<vmem>>, vector<1x40x128xf32>
    %get3A_648 = vector.shape_cast %get3A_647 : vector<1x40x128xf32> to vector<40x128xf32>
    %select_n3A_649 = arith.select %eq3A_637, %get3A_648, %select_n3A_622 : vector<40x128xi1>, vector<40x128xf32>
    %get3A_650 = arith.constant 58 : index
    %get3A_651 = arith.constant 0 : index
    %get3A_652 = arith.constant 0 : index
    %get3A_653 = vector.load %arg6[%get3A_650, %get3A_651, %get3A_652] : memref<84x40x128xf32, #tpu.memory_space<vmem>>, vector<1x40x128xf32>
    %get3A_654 = vector.shape_cast %get3A_653 : vector<1x40x128xf32> to vector<40x128xf32>
    %select_n3A_655 = arith.select %eq3A_637, %get3A_654, %select_n3A_628 : vector<40x128xi1>, vector<40x128xf32>
    %get3A_656 = arith.constant 59 : index
    %get3A_657 = arith.constant 0 : index
    %get3A_658 = arith.constant 0 : index
    %get3A_659 = vector.load %arg6[%get3A_656, %get3A_657, %get3A_658] : memref<84x40x128xf32, #tpu.memory_space<vmem>>, vector<1x40x128xf32>
    %get3A_660 = vector.shape_cast %get3A_659 : vector<1x40x128xf32> to vector<40x128xf32>
    %select_n3A_661 = arith.select %eq3A_637, %get3A_660, %select_n3A_634 : vector<40x128xi1>, vector<40x128xf32>
    %eq3A_662 = arith.constant 15 : i32
    %eq3A_663 = vector.broadcast %eq3A_662 : i32 to vector<40x128xi32>
    %eq3A_664 = arith.cmpi eq, %select_n3A_263, %eq3A_663 : vector<40x128xi32>
    %get3A_665 = arith.constant 60 : index
    %get3A_666 = arith.constant 0 : index
    %get3A_667 = arith.constant 0 : index
    %get3A_668 = vector.load %arg6[%get3A_665, %get3A_666, %get3A_667] : memref<84x40x128xf32, #tpu.memory_space<vmem>>, vector<1x40x128xf32>
    %get3A_669 = vector.shape_cast %get3A_668 : vector<1x40x128xf32> to vector<40x128xf32>
    %select_n3A_670 = arith.select %eq3A_664, %get3A_669, %select_n3A_643 : vector<40x128xi1>, vector<40x128xf32>
    %get3A_671 = arith.constant 61 : index
    %get3A_672 = arith.constant 0 : index
    %get3A_673 = arith.constant 0 : index
    %get3A_674 = vector.load %arg6[%get3A_671, %get3A_672, %get3A_673] : memref<84x40x128xf32, #tpu.memory_space<vmem>>, vector<1x40x128xf32>
    %get3A_675 = vector.shape_cast %get3A_674 : vector<1x40x128xf32> to vector<40x128xf32>
    %select_n3A_676 = arith.select %eq3A_664, %get3A_675, %select_n3A_649 : vector<40x128xi1>, vector<40x128xf32>
    %get3A_677 = arith.constant 62 : index
    %get3A_678 = arith.constant 0 : index
    %get3A_679 = arith.constant 0 : index
    %get3A_680 = vector.load %arg6[%get3A_677, %get3A_678, %get3A_679] : memref<84x40x128xf32, #tpu.memory_space<vmem>>, vector<1x40x128xf32>
    %get3A_681 = vector.shape_cast %get3A_680 : vector<1x40x128xf32> to vector<40x128xf32>
    %select_n3A_682 = arith.select %eq3A_664, %get3A_681, %select_n3A_655 : vector<40x128xi1>, vector<40x128xf32>
    %get3A_683 = arith.constant 63 : index
    %get3A_684 = arith.constant 0 : index
    %get3A_685 = arith.constant 0 : index
    %get3A_686 = vector.load %arg6[%get3A_683, %get3A_684, %get3A_685] : memref<84x40x128xf32, #tpu.memory_space<vmem>>, vector<1x40x128xf32>
    %get3A_687 = vector.shape_cast %get3A_686 : vector<1x40x128xf32> to vector<40x128xf32>
    %select_n3A_688 = arith.select %eq3A_664, %get3A_687, %select_n3A_661 : vector<40x128xi1>, vector<40x128xf32>
    %eq3A_689 = arith.constant 16 : i32
    %eq3A_690 = vector.broadcast %eq3A_689 : i32 to vector<40x128xi32>
    %eq3A_691 = arith.cmpi eq, %select_n3A_263, %eq3A_690 : vector<40x128xi32>
    %get3A_692 = arith.constant 64 : index
    %get3A_693 = arith.constant 0 : index
    %get3A_694 = arith.constant 0 : index
    %get3A_695 = vector.load %arg6[%get3A_692, %get3A_693, %get3A_694] : memref<84x40x128xf32, #tpu.memory_space<vmem>>, vector<1x40x128xf32>
    %get3A_696 = vector.shape_cast %get3A_695 : vector<1x40x128xf32> to vector<40x128xf32>
    %select_n3A_697 = arith.select %eq3A_691, %get3A_696, %select_n3A_670 : vector<40x128xi1>, vector<40x128xf32>
    %get3A_698 = arith.constant 65 : index
    %get3A_699 = arith.constant 0 : index
    %get3A_700 = arith.constant 0 : index
    %get3A_701 = vector.load %arg6[%get3A_698, %get3A_699, %get3A_700] : memref<84x40x128xf32, #tpu.memory_space<vmem>>, vector<1x40x128xf32>
    %get3A_702 = vector.shape_cast %get3A_701 : vector<1x40x128xf32> to vector<40x128xf32>
    %select_n3A_703 = arith.select %eq3A_691, %get3A_702, %select_n3A_676 : vector<40x128xi1>, vector<40x128xf32>
    %get3A_704 = arith.constant 66 : index
    %get3A_705 = arith.constant 0 : index
    %get3A_706 = arith.constant 0 : index
    %get3A_707 = vector.load %arg6[%get3A_704, %get3A_705, %get3A_706] : memref<84x40x128xf32, #tpu.memory_space<vmem>>, vector<1x40x128xf32>
    %get3A_708 = vector.shape_cast %get3A_707 : vector<1x40x128xf32> to vector<40x128xf32>
    %select_n3A_709 = arith.select %eq3A_691, %get3A_708, %select_n3A_682 : vector<40x128xi1>, vector<40x128xf32>
    %get3A_710 = arith.constant 67 : index
    %get3A_711 = arith.constant 0 : index
    %get3A_712 = arith.constant 0 : index
    %get3A_713 = vector.load %arg6[%get3A_710, %get3A_711, %get3A_712] : memref<84x40x128xf32, #tpu.memory_space<vmem>>, vector<1x40x128xf32>
    %get3A_714 = vector.shape_cast %get3A_713 : vector<1x40x128xf32> to vector<40x128xf32>
    %select_n3A_715 = arith.select %eq3A_691, %get3A_714, %select_n3A_688 : vector<40x128xi1>, vector<40x128xf32>
    %eq3A_716 = arith.constant 17 : i32
    %eq3A_717 = vector.broadcast %eq3A_716 : i32 to vector<40x128xi32>
    %eq3A_718 = arith.cmpi eq, %select_n3A_263, %eq3A_717 : vector<40x128xi32>
    %get3A_719 = arith.constant 68 : index
    %get3A_720 = arith.constant 0 : index
    %get3A_721 = arith.constant 0 : index
    %get3A_722 = vector.load %arg6[%get3A_719, %get3A_720, %get3A_721] : memref<84x40x128xf32, #tpu.memory_space<vmem>>, vector<1x40x128xf32>
    %get3A_723 = vector.shape_cast %get3A_722 : vector<1x40x128xf32> to vector<40x128xf32>
    %select_n3A_724 = arith.select %eq3A_718, %get3A_723, %select_n3A_697 : vector<40x128xi1>, vector<40x128xf32>
    %get3A_725 = arith.constant 69 : index
    %get3A_726 = arith.constant 0 : index
    %get3A_727 = arith.constant 0 : index
    %get3A_728 = vector.load %arg6[%get3A_725, %get3A_726, %get3A_727] : memref<84x40x128xf32, #tpu.memory_space<vmem>>, vector<1x40x128xf32>
    %get3A_729 = vector.shape_cast %get3A_728 : vector<1x40x128xf32> to vector<40x128xf32>
    %select_n3A_730 = arith.select %eq3A_718, %get3A_729, %select_n3A_703 : vector<40x128xi1>, vector<40x128xf32>
    %get3A_731 = arith.constant 70 : index
    %get3A_732 = arith.constant 0 : index
    %get3A_733 = arith.constant 0 : index
    %get3A_734 = vector.load %arg6[%get3A_731, %get3A_732, %get3A_733] : memref<84x40x128xf32, #tpu.memory_space<vmem>>, vector<1x40x128xf32>
    %get3A_735 = vector.shape_cast %get3A_734 : vector<1x40x128xf32> to vector<40x128xf32>
    %select_n3A_736 = arith.select %eq3A_718, %get3A_735, %select_n3A_709 : vector<40x128xi1>, vector<40x128xf32>
    %get3A_737 = arith.constant 71 : index
    %get3A_738 = arith.constant 0 : index
    %get3A_739 = arith.constant 0 : index
    %get3A_740 = vector.load %arg6[%get3A_737, %get3A_738, %get3A_739] : memref<84x40x128xf32, #tpu.memory_space<vmem>>, vector<1x40x128xf32>
    %get3A_741 = vector.shape_cast %get3A_740 : vector<1x40x128xf32> to vector<40x128xf32>
    %select_n3A_742 = arith.select %eq3A_718, %get3A_741, %select_n3A_715 : vector<40x128xi1>, vector<40x128xf32>
    %eq3A_743 = arith.constant 18 : i32
    %eq3A_744 = vector.broadcast %eq3A_743 : i32 to vector<40x128xi32>
    %eq3A_745 = arith.cmpi eq, %select_n3A_263, %eq3A_744 : vector<40x128xi32>
    %get3A_746 = arith.constant 72 : index
    %get3A_747 = arith.constant 0 : index
    %get3A_748 = arith.constant 0 : index
    %get3A_749 = vector.load %arg6[%get3A_746, %get3A_747, %get3A_748] : memref<84x40x128xf32, #tpu.memory_space<vmem>>, vector<1x40x128xf32>
    %get3A_750 = vector.shape_cast %get3A_749 : vector<1x40x128xf32> to vector<40x128xf32>
    %select_n3A_751 = arith.select %eq3A_745, %get3A_750, %select_n3A_724 : vector<40x128xi1>, vector<40x128xf32>
    %get3A_752 = arith.constant 73 : index
    %get3A_753 = arith.constant 0 : index
    %get3A_754 = arith.constant 0 : index
    %get3A_755 = vector.load %arg6[%get3A_752, %get3A_753, %get3A_754] : memref<84x40x128xf32, #tpu.memory_space<vmem>>, vector<1x40x128xf32>
    %get3A_756 = vector.shape_cast %get3A_755 : vector<1x40x128xf32> to vector<40x128xf32>
    %select_n3A_757 = arith.select %eq3A_745, %get3A_756, %select_n3A_730 : vector<40x128xi1>, vector<40x128xf32>
    %get3A_758 = arith.constant 74 : index
    %get3A_759 = arith.constant 0 : index
    %get3A_760 = arith.constant 0 : index
    %get3A_761 = vector.load %arg6[%get3A_758, %get3A_759, %get3A_760] : memref<84x40x128xf32, #tpu.memory_space<vmem>>, vector<1x40x128xf32>
    %get3A_762 = vector.shape_cast %get3A_761 : vector<1x40x128xf32> to vector<40x128xf32>
    %select_n3A_763 = arith.select %eq3A_745, %get3A_762, %select_n3A_736 : vector<40x128xi1>, vector<40x128xf32>
    %get3A_764 = arith.constant 75 : index
    %get3A_765 = arith.constant 0 : index
    %get3A_766 = arith.constant 0 : index
    %get3A_767 = vector.load %arg6[%get3A_764, %get3A_765, %get3A_766] : memref<84x40x128xf32, #tpu.memory_space<vmem>>, vector<1x40x128xf32>
    %get3A_768 = vector.shape_cast %get3A_767 : vector<1x40x128xf32> to vector<40x128xf32>
    %select_n3A_769 = arith.select %eq3A_745, %get3A_768, %select_n3A_742 : vector<40x128xi1>, vector<40x128xf32>
    %eq3A_770 = arith.constant 19 : i32
    %eq3A_771 = vector.broadcast %eq3A_770 : i32 to vector<40x128xi32>
    %eq3A_772 = arith.cmpi eq, %select_n3A_263, %eq3A_771 : vector<40x128xi32>
    %get3A_773 = arith.constant 76 : index
    %get3A_774 = arith.constant 0 : index
    %get3A_775 = arith.constant 0 : index
    %get3A_776 = vector.load %arg6[%get3A_773, %get3A_774, %get3A_775] : memref<84x40x128xf32, #tpu.memory_space<vmem>>, vector<1x40x128xf32>
    %get3A_777 = vector.shape_cast %get3A_776 : vector<1x40x128xf32> to vector<40x128xf32>
    %select_n3A_778 = arith.select %eq3A_772, %get3A_777, %select_n3A_751 : vector<40x128xi1>, vector<40x128xf32>
    %get3A_779 = arith.constant 77 : index
    %get3A_780 = arith.constant 0 : index
    %get3A_781 = arith.constant 0 : index
    %get3A_782 = vector.load %arg6[%get3A_779, %get3A_780, %get3A_781] : memref<84x40x128xf32, #tpu.memory_space<vmem>>, vector<1x40x128xf32>
    %get3A_783 = vector.shape_cast %get3A_782 : vector<1x40x128xf32> to vector<40x128xf32>
    %select_n3A_784 = arith.select %eq3A_772, %get3A_783, %select_n3A_757 : vector<40x128xi1>, vector<40x128xf32>
    %get3A_785 = arith.constant 78 : index
    %get3A_786 = arith.constant 0 : index
    %get3A_787 = arith.constant 0 : index
    %get3A_788 = vector.load %arg6[%get3A_785, %get3A_786, %get3A_787] : memref<84x40x128xf32, #tpu.memory_space<vmem>>, vector<1x40x128xf32>
    %get3A_789 = vector.shape_cast %get3A_788 : vector<1x40x128xf32> to vector<40x128xf32>
    %select_n3A_790 = arith.select %eq3A_772, %get3A_789, %select_n3A_763 : vector<40x128xi1>, vector<40x128xf32>
    %get3A_791 = arith.constant 79 : index
    %get3A_792 = arith.constant 0 : index
    %get3A_793 = arith.constant 0 : index
    %get3A_794 = vector.load %arg6[%get3A_791, %get3A_792, %get3A_793] : memref<84x40x128xf32, #tpu.memory_space<vmem>>, vector<1x40x128xf32>
    %get3A_795 = vector.shape_cast %get3A_794 : vector<1x40x128xf32> to vector<40x128xf32>
    %select_n3A_796 = arith.select %eq3A_772, %get3A_795, %select_n3A_769 : vector<40x128xi1>, vector<40x128xf32>
    %eq3A_797 = arith.constant 20 : i32
    %eq3A_798 = vector.broadcast %eq3A_797 : i32 to vector<40x128xi32>
    %eq3A_799 = arith.cmpi eq, %select_n3A_263, %eq3A_798 : vector<40x128xi32>
    %get3A_800 = arith.constant 80 : index
    %get3A_801 = arith.constant 0 : index
    %get3A_802 = arith.constant 0 : index
    %get3A_803 = vector.load %arg6[%get3A_800, %get3A_801, %get3A_802] : memref<84x40x128xf32, #tpu.memory_space<vmem>>, vector<1x40x128xf32>
    %get3A_804 = vector.shape_cast %get3A_803 : vector<1x40x128xf32> to vector<40x128xf32>
    %select_n3A_805 = arith.select %eq3A_799, %get3A_804, %select_n3A_778 : vector<40x128xi1>, vector<40x128xf32>
    %get3A_806 = arith.constant 81 : index
    %get3A_807 = arith.constant 0 : index
    %get3A_808 = arith.constant 0 : index
    %get3A_809 = vector.load %arg6[%get3A_806, %get3A_807, %get3A_808] : memref<84x40x128xf32, #tpu.memory_space<vmem>>, vector<1x40x128xf32>
    %get3A_810 = vector.shape_cast %get3A_809 : vector<1x40x128xf32> to vector<40x128xf32>
    %select_n3A_811 = arith.select %eq3A_799, %get3A_810, %select_n3A_784 : vector<40x128xi1>, vector<40x128xf32>
    %get3A_812 = arith.constant 82 : index
    %get3A_813 = arith.constant 0 : index
    %get3A_814 = arith.constant 0 : index
    %get3A_815 = vector.load %arg6[%get3A_812, %get3A_813, %get3A_814] : memref<84x40x128xf32, #tpu.memory_space<vmem>>, vector<1x40x128xf32>
    %get3A_816 = vector.shape_cast %get3A_815 : vector<1x40x128xf32> to vector<40x128xf32>
    %select_n3A_817 = arith.select %eq3A_799, %get3A_816, %select_n3A_790 : vector<40x128xi1>, vector<40x128xf32>
    %get3A_818 = arith.constant 83 : index
    %get3A_819 = arith.constant 0 : index
    %get3A_820 = arith.constant 0 : index
    %get3A_821 = vector.load %arg6[%get3A_818, %get3A_819, %get3A_820] : memref<84x40x128xf32, #tpu.memory_space<vmem>>, vector<1x40x128xf32>
    %get3A_822 = vector.shape_cast %get3A_821 : vector<1x40x128xf32> to vector<40x128xf32>
    %select_n3A_823 = arith.select %eq3A_799, %get3A_822, %select_n3A_796 : vector<40x128xi1>, vector<40x128xf32>
    %mul3A_824 = arith.mulf %select_n3A_805, %add3A_28 : vector<40x128xf32>
    %add3A_825 = arith.addf %mul3A_824, %add3A_35 : vector<40x128xf32>
    %mul3A_826 = arith.mulf %select_n3A_811, %add3A_32 : vector<40x128xf32>
    %add3A_827 = arith.addf %mul3A_826, %add3A_39 : vector<40x128xf32>
    %exp3A = math.exp %select_n3A_817 : vector<40x128xf32>
    %mul3A_828 = arith.mulf %exp3A, %add3A_28 : vector<40x128xf32>
    %exp3A_829 = math.exp %select_n3A_823 : vector<40x128xf32>
    %mul3A_830 = arith.mulf %exp3A_829, %add3A_32 : vector<40x128xf32>
    %mul3A_831 = arith.constant 5.000000e-01 : f32
    %mul3A_832 = vector.broadcast %mul3A_831 : f32 to vector<40x128xf32>
    %mul3A_833 = arith.mulf %mul3A_832, %mul3A_828 : vector<40x128xf32>
    %sub3A_834 = arith.subf %add3A_825, %mul3A_833 : vector<40x128xf32>
    %sub3A_835 = arith.constant 1.000000e+00 : f32
    %sub3A_836 = arith.subf %get3A_7, %sub3A_835 : f32
    %jit3A_837 = arith.constant 0.000000e+00 : f32
    %max3A_838 = vector.broadcast %jit3A_837 : f32 to vector<40x128xf32>
    %max3A_839 = arith.maximumf %max3A_838, %sub3A_834 : vector<40x128xf32>
    %min3A = vector.broadcast %sub3A_836 : f32 to vector<40x128xf32>
    %min3A_840 = arith.minimumf %min3A, %max3A_839 : vector<40x128xf32>
    %mul3A_841 = arith.constant 5.000000e-01 : f32
    %mul3A_842 = vector.broadcast %mul3A_841 : f32 to vector<40x128xf32>
    %mul3A_843 = arith.mulf %mul3A_842, %mul3A_830 : vector<40x128xf32>
    %sub3A_844 = arith.subf %add3A_827, %mul3A_843 : vector<40x128xf32>
    %sub3A_845 = arith.constant 1.000000e+00 : f32
    %sub3A_846 = arith.subf %get3A_4, %sub3A_845 : f32
    %jit3A_847 = arith.constant 0.000000e+00 : f32
    %max3A_848 = vector.broadcast %jit3A_847 : f32 to vector<40x128xf32>
    %max3A_849 = arith.maximumf %max3A_848, %sub3A_844 : vector<40x128xf32>
    %min3A_850 = vector.broadcast %sub3A_846 : f32 to vector<40x128xf32>
    %min3A_851 = arith.minimumf %min3A_850, %max3A_849 : vector<40x128xf32>
    %mul3A_852 = arith.constant 5.000000e-01 : f32
    %mul3A_853 = vector.broadcast %mul3A_852 : f32 to vector<40x128xf32>
    %mul3A_854 = arith.mulf %mul3A_853, %mul3A_828 : vector<40x128xf32>
    %add3A_855 = arith.addf %add3A_825, %mul3A_854 : vector<40x128xf32>
    %sub3A_856 = arith.constant 1.000000e+00 : f32
    %sub3A_857 = arith.subf %get3A_7, %sub3A_856 : f32
    %jit3A_858 = arith.constant 0.000000e+00 : f32
    %max3A_859 = vector.broadcast %jit3A_858 : f32 to vector<40x128xf32>
    %max3A_860 = arith.maximumf %max3A_859, %add3A_855 : vector<40x128xf32>
    %min3A_861 = vector.broadcast %sub3A_857 : f32 to vector<40x128xf32>
    %min3A_862 = arith.minimumf %min3A_861, %max3A_860 : vector<40x128xf32>
    %mul3A_863 = arith.constant 5.000000e-01 : f32
    %mul3A_864 = vector.broadcast %mul3A_863 : f32 to vector<40x128xf32>
    %mul3A_865 = arith.mulf %mul3A_864, %mul3A_830 : vector<40x128xf32>
    %add3A_866 = arith.addf %add3A_827, %mul3A_865 : vector<40x128xf32>
    %sub3A_867 = arith.constant 1.000000e+00 : f32
    %sub3A_868 = arith.subf %get3A_4, %sub3A_867 : f32
    %jit3A_869 = arith.constant 0.000000e+00 : f32
    %max3A_870 = vector.broadcast %jit3A_869 : f32 to vector<40x128xf32>
    %max3A_871 = arith.maximumf %max3A_870, %add3A_866 : vector<40x128xf32>
    %min3A_872 = vector.broadcast %sub3A_868 : f32 to vector<40x128xf32>
    %min3A_873 = arith.minimumf %min3A_872, %max3A_871 : vector<40x128xf32>
    %sub3A_874 = arith.subf %min3A_862, %min3A_840 : vector<40x128xf32>
    %add3A_875 = arith.constant 1.000000e+00 : f32
    %add3A_876 = vector.broadcast %add3A_875 : f32 to vector<40x128xf32>
    %add3A_877 = arith.addf %sub3A_874, %add3A_876 : vector<40x128xf32>
    %sub3A_878 = arith.subf %min3A_873, %min3A_851 : vector<40x128xf32>
    %add3A_879 = arith.constant 1.000000e+00 : f32
    %add3A_880 = vector.broadcast %add3A_879 : f32 to vector<40x128xf32>
    %add3A_881 = arith.addf %sub3A_878, %add3A_880 : vector<40x128xf32>
    %mul3A_882 = arith.mulf %add3A_877, %add3A_881 : vector<40x128xf32>
    %iota3A = tpu.iota {dimensions = array<i32: 0>} : vector<40x128xi32>
    %iota3A_883 = tpu.iota {dimensions = array<i32: 1>} : vector<40x128xi32>
    %mul3A_884 = arith.constant 128 : i32
    %mul3A_885 = vector.broadcast %mul3A_884 : i32 to vector<40x128xi32>
    %mul3A_886 = arith.muli %iota3A, %mul3A_885 : vector<40x128xi32>
    %add3A_887 = arith.addi %mul3A_886, %iota3A_883 : vector<40x128xi32>
    %lt3A = arith.constant 5000 : i32
    %lt3A_888 = vector.broadcast %lt3A : i32 to vector<40x128xi32>
    %lt3A_889 = arith.cmpi slt, %add3A_887, %lt3A_888 : vector<40x128xi32>
    %jit3A_890 = arith.constant 0.000000e+00 : f32
    %broadcast_in_dim3A_891 = vector.broadcast %jit3A_890 : f32 to vector<40x128xf32>
    %select_n3A_892 = arith.select %lt3A_889, %min3A_840, %broadcast_in_dim3A_891 : vector<40x128xi1>, vector<40x128xf32>
    %swap3A = arith.constant 0 : index
    %swap3A_893 = arith.constant 0 : index
    %swap3A_894 = arith.constant 0 : index
    %swap3A_895 = vector.load %arg7[%swap3A, %swap3A_893, %swap3A_894] : memref<4x40x128xf32, #tpu.memory_space<vmem>>, vector<1x40x128xf32>
    %swap3A_896 = vector.shape_cast %swap3A_895 : vector<1x40x128xf32> to vector<40x128xf32>
    %swap3A_897 = vector.shape_cast %select_n3A_892 : vector<40x128xf32> to vector<1x40x128xf32>
    tpu.vector_store %arg7[%swap3A, %swap3A_893, %swap3A_894], %swap3A_897 {strides = array<i32>} : memref<4x40x128xf32, #tpu.memory_space<vmem>>, vector<1x40x128xf32>,
    %jit3A_898 = arith.constant 0.000000e+00 : f32
    %broadcast_in_dim3A_899 = vector.broadcast %jit3A_898 : f32 to vector<40x128xf32>
    %select_n3A_900 = arith.select %lt3A_889, %min3A_851, %broadcast_in_dim3A_899 : vector<40x128xi1>, vector<40x128xf32>
    %swap3A_901 = arith.constant 1 : index
    %swap3A_902 = arith.constant 0 : index
    %swap3A_903 = arith.constant 0 : index
    %swap3A_904 = vector.load %arg7[%swap3A_901, %swap3A_902, %swap3A_903] : memref<4x40x128xf32, #tpu.memory_space<vmem>>, vector<1x40x128xf32>
    %swap3A_905 = vector.shape_cast %swap3A_904 : vector<1x40x128xf32> to vector<40x128xf32>
    %swap3A_906 = vector.shape_cast %select_n3A_900 : vector<40x128xf32> to vector<1x40x128xf32>
    tpu.vector_store %arg7[%swap3A_901, %swap3A_902, %swap3A_903], %swap3A_906 {strides = array<i32>} : memref<4x40x128xf32, #tpu.memory_space<vmem>>, vector<1x40x128xf32>,
    %jit3A_907 = arith.constant 0.000000e+00 : f32
    %broadcast_in_dim3A_908 = vector.broadcast %jit3A_907 : f32 to vector<40x128xf32>
    %select_n3A_909 = arith.select %lt3A_889, %min3A_862, %broadcast_in_dim3A_908 : vector<40x128xi1>, vector<40x128xf32>
    %swap3A_910 = arith.constant 2 : index
    %swap3A_911 = arith.constant 0 : index
    %swap3A_912 = arith.constant 0 : index
    %swap3A_913 = vector.load %arg7[%swap3A_910, %swap3A_911, %swap3A_912] : memref<4x40x128xf32, #tpu.memory_space<vmem>>, vector<1x40x128xf32>
    %swap3A_914 = vector.shape_cast %swap3A_913 : vector<1x40x128xf32> to vector<40x128xf32>
    %swap3A_915 = vector.shape_cast %select_n3A_909 : vector<40x128xf32> to vector<1x40x128xf32>
    tpu.vector_store %arg7[%swap3A_910, %swap3A_911, %swap3A_912], %swap3A_915 {strides = array<i32>} : memref<4x40x128xf32, #tpu.memory_space<vmem>>, vector<1x40x128xf32>,
    %jit3A_916 = arith.constant 0.000000e+00 : f32
    %broadcast_in_dim3A_917 = vector.broadcast %jit3A_916 : f32 to vector<40x128xf32>
    %select_n3A_918 = arith.select %lt3A_889, %min3A_873, %broadcast_in_dim3A_917 : vector<40x128xi1>, vector<40x128xf32>
    %swap3A_919 = arith.constant 3 : index
    %swap3A_920 = arith.constant 0 : index
    %swap3A_921 = arith.constant 0 : index
    %swap3A_922 = vector.load %arg7[%swap3A_919, %swap3A_920, %swap3A_921] : memref<4x40x128xf32, #tpu.memory_space<vmem>>, vector<1x40x128xf32>
    %swap3A_923 = vector.shape_cast %swap3A_922 : vector<1x40x128xf32> to vector<40x128xf32>
    %swap3A_924 = vector.shape_cast %select_n3A_918 : vector<40x128xf32> to vector<1x40x128xf32>
    tpu.vector_store %arg7[%swap3A_919, %swap3A_920, %swap3A_921], %swap3A_924 {strides = array<i32>} : memref<4x40x128xf32, #tpu.memory_space<vmem>>, vector<1x40x128xf32>,
    %jit3A_925 = arith.constant 1.000000e+00 : f32
    %jit3A_926 = arith.constant 0.000000e+00 : f32
    %broadcast_in_dim3A_927 = vector.broadcast %jit3A_925 : f32 to vector<40x128xf32>
    %broadcast_in_dim3A_928 = vector.broadcast %jit3A_926 : f32 to vector<40x128xf32>
    %select_n3A_929 = arith.select %lt3A_889, %broadcast_in_dim3A_927, %broadcast_in_dim3A_928 : vector<40x128xi1>, vector<40x128xf32>
    %scan3A = arith.constant 0xFF800000 : f32
    %scan3A_930 = arith.constant 0 : i32
    %scan3A_931 = arith.constant 0 : i32
    %scan3A_932 = arith.constant 300 : i32
    %scan3A_933 = arith.addi %scan3A_931, %scan3A_932 : i32
    %scan3A_934 = arith.constant 1 : i32
    %scan3A_935:2 = scf.for %scan3A_944 = %scan3A_931 to %scan3A_933 step %scan3A_934 iter_args(%scan3A_945 = %select_n3A_929, %scan3A_946 = %scan3A_930) -> (vector<40x128xf32>, i32)  : i32 {
      %gt3A_947 = arith.constant 0.000000e+00 : f32
      %gt3A_948 = vector.broadcast %gt3A_947 : f32 to vector<40x128xf32>
      %gt3A_949 = arith.cmpf ogt, %scan3A_945, %gt3A_948 : vector<40x128xf32>
      %broadcast_in_dim3A_950 = vector.broadcast %scan3A : f32 to vector<40x128xf32>
      %select_n3A_951 = arith.select %gt3A_949, %max3A_264, %broadcast_in_dim3A_950 : vector<40x128xi1>, vector<40x128xf32>
      %reduce_max3A = arith.constant dense<0xFF800000> : vector<40xf32>
      %reduce_max3A_952 = vector.multi_reduction <maximumf>, %select_n3A_951, %reduce_max3A [1] : vector<40x128xf32> to vector<40xf32>
      %broadcast_in_dim3A_953 = vector.shape_cast %reduce_max3A_952 : vector<40xf32> to vector<40x1xf32>
      %reduce_max3A_954 = arith.constant dense<0xFF800000> : vector<1xf32>
      %reduce_max3A_955 = vector.multi_reduction <maximumf>, %broadcast_in_dim3A_953, %reduce_max3A_954 [0] : vector<40x1xf32> to vector<1xf32>
      %broadcast_in_dim3A_956 = vector.shape_cast %reduce_max3A_955 : vector<1xf32> to vector<1x1xf32>
      %eq3A_957 = vector.broadcast %broadcast_in_dim3A_956 : vector<1x1xf32> to vector<40x128xf32>
      %eq3A_958 = arith.cmpf oeq, %select_n3A_951, %eq3A_957 : vector<40x128xf32>
      %and3A = arith.andi %eq3A_958, %gt3A_949 : vector<40x128xi1>
      %jit3A_959 = arith.constant 1073741824 : i32
      %broadcast_in_dim3A_960 = vector.broadcast %jit3A_959 : i32 to vector<40x128xi32>
      %select_n3A_961 = arith.select %and3A, %add3A_887, %broadcast_in_dim3A_960 : vector<40x128xi1>, vector<40x128xi32>
      %reduce_min3A = arith.constant dense<2147483647> : vector<40xi32>
      %reduce_min3A_962 = vector.multi_reduction <minsi>, %select_n3A_961, %reduce_min3A [1] : vector<40x128xi32> to vector<40xi32>
      %broadcast_in_dim3A_963 = vector.shape_cast %reduce_min3A_962 : vector<40xi32> to vector<40x1xi32>
      %reduce_min3A_964 = arith.constant dense<2147483647> : vector<1xi32>
      %reduce_min3A_965 = vector.multi_reduction <minsi>, %broadcast_in_dim3A_963, %reduce_min3A_964 [0] : vector<40x1xi32> to vector<1xi32>
      %broadcast_in_dim3A_966 = vector.shape_cast %reduce_min3A_965 : vector<1xi32> to vector<1x1xi32>
      %eq3A_967 = vector.broadcast %broadcast_in_dim3A_966 : vector<1x1xi32> to vector<40x128xi32>
      %eq3A_968 = arith.cmpi eq, %add3A_887, %eq3A_967 : vector<40x128xi32>
      %jit3A_969 = arith.constant 0.000000e+00 : f32
      %broadcast_in_dim3A_970 = vector.broadcast %jit3A_969 : f32 to vector<40x128xf32>
      %select_n3A_971 = arith.select %eq3A_968, %min3A_840, %broadcast_in_dim3A_970 : vector<40x128xi1>, vector<40x128xf32>
      %reduce_sum3A = arith.constant dense<0.000000e+00> : vector<40xf32>
      %reduce_sum3A_972 = vector.multi_reduction <add>, %select_n3A_971, %reduce_sum3A [1] : vector<40x128xf32> to vector<40xf32>
      %broadcast_in_dim3A_973 = vector.shape_cast %reduce_sum3A_972 : vector<40xf32> to vector<40x1xf32>
      %reduce_sum3A_974 = arith.constant dense<0.000000e+00> : vector<1xf32>
      %reduce_sum3A_975 = vector.multi_reduction <add>, %broadcast_in_dim3A_973, %reduce_sum3A_974 [0] : vector<40x1xf32> to vector<1xf32>
      %broadcast_in_dim3A_976 = vector.shape_cast %reduce_sum3A_975 : vector<1xf32> to vector<1x1xf32>
      %jit3A_977 = arith.constant 0.000000e+00 : f32
      %broadcast_in_dim3A_978 = vector.broadcast %jit3A_977 : f32 to vector<40x128xf32>
      %select_n3A_979 = arith.select %eq3A_968, %min3A_851, %broadcast_in_dim3A_978 : vector<40x128xi1>, vector<40x128xf32>
      %reduce_sum3A_980 = arith.constant dense<0.000000e+00> : vector<40xf32>
      %reduce_sum3A_981 = vector.multi_reduction <add>, %select_n3A_979, %reduce_sum3A_980 [1] : vector<40x128xf32> to vector<40xf32>
      %broadcast_in_dim3A_982 = vector.shape_cast %reduce_sum3A_981 : vector<40xf32> to vector<40x1xf32>
      %reduce_sum3A_983 = arith.constant dense<0.000000e+00> : vector<1xf32>
      %reduce_sum3A_984 = vector.multi_reduction <add>, %broadcast_in_dim3A_982, %reduce_sum3A_983 [0] : vector<40x1xf32> to vector<1xf32>
      %broadcast_in_dim3A_985 = vector.shape_cast %reduce_sum3A_984 : vector<1xf32> to vector<1x1xf32>
      %jit3A_986 = arith.constant 0.000000e+00 : f32
      %broadcast_in_dim3A_987 = vector.broadcast %jit3A_986 : f32 to vector<40x128xf32>
      %select_n3A_988 = arith.select %eq3A_968, %min3A_862, %broadcast_in_dim3A_987 : vector<40x128xi1>, vector<40x128xf32>
      %reduce_sum3A_989 = arith.constant dense<0.000000e+00> : vector<40xf32>
      %reduce_sum3A_990 = vector.multi_reduction <add>, %select_n3A_988, %reduce_sum3A_989 [1] : vector<40x128xf32> to vector<40xf32>
      %broadcast_in_dim3A_991 = vector.shape_cast %reduce_sum3A_990 : vector<40xf32> to vector<40x1xf32>
      %reduce_sum3A_992 = arith.constant dense<0.000000e+00> : vector<1xf32>
      %reduce_sum3A_993 = vector.multi_reduction <add>, %broadcast_in_dim3A_991, %reduce_sum3A_992 [0] : vector<40x1xf32> to vector<1xf32>
      %broadcast_in_dim3A_994 = vector.shape_cast %reduce_sum3A_993 : vector<1xf32> to vector<1x1xf32>
      %jit3A_995 = arith.constant 0.000000e+00 : f32
      %broadcast_in_dim3A_996 = vector.broadcast %jit3A_995 : f32 to vector<40x128xf32>
      %select_n3A_997 = arith.select %eq3A_968, %min3A_873, %broadcast_in_dim3A_996 : vector<40x128xi1>, vector<40x128xf32>
      %reduce_sum3A_998 = arith.constant dense<0.000000e+00> : vector<40xf32>
      %reduce_sum3A_999 = vector.multi_reduction <add>, %select_n3A_997, %reduce_sum3A_998 [1] : vector<40x128xf32> to vector<40xf32>
      %broadcast_in_dim3A_1000 = vector.shape_cast %reduce_sum3A_999 : vector<40xf32> to vector<40x1xf32>
      %reduce_sum3A_1001 = arith.constant dense<0.000000e+00> : vector<1xf32>
      %reduce_sum3A_1002 = vector.multi_reduction <add>, %broadcast_in_dim3A_1000, %reduce_sum3A_1001 [0] : vector<40x1xf32> to vector<1xf32>
      %broadcast_in_dim3A_1003 = vector.shape_cast %reduce_sum3A_1002 : vector<1xf32> to vector<1x1xf32>
      %jit3A_1004 = arith.constant 0.000000e+00 : f32
      %broadcast_in_dim3A_1005 = vector.broadcast %jit3A_1004 : f32 to vector<40x128xf32>
      %select_n3A_1006 = arith.select %eq3A_968, %mul3A_882, %broadcast_in_dim3A_1005 : vector<40x128xi1>, vector<40x128xf32>
      %reduce_sum3A_1007 = arith.constant dense<0.000000e+00> : vector<40xf32>
      %reduce_sum3A_1008 = vector.multi_reduction <add>, %select_n3A_1006, %reduce_sum3A_1007 [1] : vector<40x128xf32> to vector<40xf32>
      %broadcast_in_dim3A_1009 = vector.shape_cast %reduce_sum3A_1008 : vector<40xf32> to vector<40x1xf32>
      %reduce_sum3A_1010 = arith.constant dense<0.000000e+00> : vector<1xf32>
      %reduce_sum3A_1011 = vector.multi_reduction <add>, %broadcast_in_dim3A_1009, %reduce_sum3A_1010 [0] : vector<40x1xf32> to vector<1xf32>
      %broadcast_in_dim3A_1012 = vector.shape_cast %reduce_sum3A_1011 : vector<1xf32> to vector<1x1xf32>
      %min3A_1013 = vector.broadcast %broadcast_in_dim3A_994 : vector<1x1xf32> to vector<40x128xf32>
      %min3A_1014 = arith.minimumf %min3A_1013, %min3A_862 : vector<40x128xf32>
      %max3A_1015 = vector.broadcast %broadcast_in_dim3A_976 : vector<1x1xf32> to vector<40x128xf32>
      %max3A_1016 = arith.maximumf %max3A_1015, %min3A_840 : vector<40x128xf32>
      %sub3A_1017 = arith.subf %min3A_1014, %max3A_1016 : vector<40x128xf32>
      %add3A_1018 = arith.constant 1.000000e+00 : f32
      %add3A_1019 = vector.broadcast %add3A_1018 : f32 to vector<40x128xf32>
      %add3A_1020 = arith.addf %sub3A_1017, %add3A_1019 : vector<40x128xf32>
      %max3A_1021 = arith.constant 0.000000e+00 : f32
      %max3A_1022 = vector.broadcast %max3A_1021 : f32 to vector<40x128xf32>
      %max3A_1023 = arith.maximumf %add3A_1020, %max3A_1022 : vector<40x128xf32>
      %min3A_1024 = vector.broadcast %broadcast_in_dim3A_1003 : vector<1x1xf32> to vector<40x128xf32>
      %min3A_1025 = arith.minimumf %min3A_1024, %min3A_873 : vector<40x128xf32>
      %max3A_1026 = vector.broadcast %broadcast_in_dim3A_985 : vector<1x1xf32> to vector<40x128xf32>
      %max3A_1027 = arith.maximumf %max3A_1026, %min3A_851 : vector<40x128xf32>
      %sub3A_1028 = arith.subf %min3A_1025, %max3A_1027 : vector<40x128xf32>
      %add3A_1029 = arith.constant 1.000000e+00 : f32
      %add3A_1030 = vector.broadcast %add3A_1029 : f32 to vector<40x128xf32>
      %add3A_1031 = arith.addf %sub3A_1028, %add3A_1030 : vector<40x128xf32>
      %max3A_1032 = arith.constant 0.000000e+00 : f32
      %max3A_1033 = vector.broadcast %max3A_1032 : f32 to vector<40x128xf32>
      %max3A_1034 = arith.maximumf %add3A_1031, %max3A_1033 : vector<40x128xf32>
      %mul3A_1035 = arith.mulf %max3A_1023, %max3A_1034 : vector<40x128xf32>
      %add3A_1036 = vector.broadcast %broadcast_in_dim3A_1012 : vector<1x1xf32> to vector<40x128xf32>
      %add3A_1037 = arith.addf %add3A_1036, %mul3A_882 : vector<40x128xf32>
      %sub3A_1038 = arith.subf %add3A_1037, %mul3A_1035 : vector<40x128xf32>
      %div3A_1039 = arith.divf %mul3A_1035, %sub3A_1038 : vector<40x128xf32>
      %gt3A_1040 = arith.constant 5.000000e-01 : f32
      %gt3A_1041 = vector.broadcast %gt3A_1040 : f32 to vector<40x128xf32>
      %gt3A_1042 = arith.cmpf ogt, %div3A_1039, %gt3A_1041 : vector<40x128xf32>
      %or3A = arith.ori %gt3A_1042, %eq3A_968 : vector<40x128xi1>
      %not3A = arith.constant dense<true> : vector<40x128xi1>
      %not3A_1043 = arith.xori %or3A, %not3A : vector<40x128xi1>
      %and3A_1044 = arith.andi %gt3A_949, %not3A_1043 : vector<40x128xi1>
      %jit3A_1045 = arith.constant 1.000000e+00 : f32
      %jit3A_1046 = arith.constant 0.000000e+00 : f32
      %broadcast_in_dim3A_1047 = vector.broadcast %jit3A_1045 : f32 to vector<40x128xf32>
      %broadcast_in_dim3A_1048 = vector.broadcast %jit3A_1046 : f32 to vector<40x128xf32>
      %select_n3A_1049 = arith.select %and3A_1044, %broadcast_in_dim3A_1047, %broadcast_in_dim3A_1048 : vector<40x128xi1>, vector<40x128xf32>
      %squeeze3A = vector.extract %broadcast_in_dim3A_966[0, 0] : i32 from vector<1x1xi32>
      %lt3A_1050 = arith.constant 1073741824 : i32
      %lt3A_1051 = arith.cmpi slt, %squeeze3A, %lt3A_1050 : i32
      %jit3A_1052 = arith.constant 0 : i32
      %select_n3A_1053 = arith.select %lt3A_1051, %squeeze3A, %jit3A_1052 : i32
      %swap3A_1054 = arith.index_cast %scan3A_944 : i32 to index
      %swap3A_1055 = memref.load %arg8[%swap3A_1054] : memref<512xi32, #tpu.memory_space<smem>>
      memref.store %select_n3A_1053, %arg8[%swap3A_1054] : memref<512xi32, #tpu.memory_space<smem>>
      %jit3A_1056 = arith.constant 1 : i32
      %jit3A_1057 = arith.constant 0 : i32
      %select_n3A_1058 = arith.select %lt3A_1051, %jit3A_1056, %jit3A_1057 : i32
      %add3A_1059 = arith.addi %scan3A_946, %select_n3A_1058 : i32
      scf.yield %select_n3A_1049, %add3A_1059 : vector<40x128xf32>, i32
    }
    %scan3A_936 = arith.constant 300 : i32
    %swap3A_937 = arith.constant 0 : index
    %swap3A_938 = memref.load %arg9[%swap3A_937] : memref<1xi32, #tpu.memory_space<smem>>
    memref.store %scan3A_935#1, %arg9[%swap3A_937] : memref<1xi32, #tpu.memory_space<smem>>
    %scan3A_939 = arith.constant 300 : i32
    %scan3A_940 = arith.constant 212 : i32
    %scan3A_941 = arith.addi %scan3A_939, %scan3A_940 : i32
    %scan3A_942 = arith.constant 1 : i32
    scf.for %scan3A_944 = %scan3A_939 to %scan3A_941 step %scan3A_942  : i32 {
      %swap3A_945 = arith.constant 0 : i32
      %swap3A_946 = arith.index_cast %scan3A_944 : i32 to index
      %swap3A_947 = memref.load %arg8[%swap3A_946] : memref<512xi32, #tpu.memory_space<smem>>
      memref.store %swap3A_945, %arg8[%swap3A_946] : memref<512xi32, #tpu.memory_space<smem>>
    }
    %scan3A_943 = arith.constant 212 : i32
    return
  }
}

module attributes {stable_mosaic.version = 14 : i64} {
  func.func @_mask_gather_body(%arg0: i32, %arg1: memref<300xi32, #tpu.memory_space<smem>>, %arg2: memref<1xi32, #tpu.memory_space<smem>>, %arg3: memref<1x14x14x21xf32, #tpu.memory_space<vmem>>, %arg4: memref<1x14x14x21xf32, #tpu.memory_space<vmem>>, %arg5: memref<1x14x14x21xf32, #tpu.memory_space<vmem>>, %arg6: memref<1x14x14x21xf32, #tpu.memory_space<vmem>>, %arg7: memref<1x14x14x21xf32, #tpu.memory_space<vmem>>, %arg8: memref<1x14x14x21xf32, #tpu.memory_space<vmem>>, %arg9: memref<1x14x14x21xf32, #tpu.memory_space<vmem>>, %arg10: memref<1x14x14x21xf32, #tpu.memory_space<vmem>>, %arg11: memref<1x14x14x21xf32, #tpu.memory_space<vmem>>, %arg12: memref<1x14x14x21xf32, #tpu.memory_space<vmem>>, %arg13: memref<1x14x14x21xf32, #tpu.memory_space<vmem>>, %arg14: memref<1x14x14x21xf32, #tpu.memory_space<vmem>>, %arg15: memref<1x14x14x21xf32, #tpu.memory_space<vmem>>, %arg16: memref<1x14x14x21xf32, #tpu.memory_space<vmem>>, %arg17: memref<1x14x14x21xf32, #tpu.memory_space<vmem>>, %arg18: memref<1x14x14x21xf32, #tpu.memory_space<vmem>>, %arg19: memref<1x14x14x21xf32, #tpu.memory_space<vmem>>, %arg20: memref<1x14x14x21xf32, #tpu.memory_space<vmem>>, %arg21: memref<1x14x14x21xf32, #tpu.memory_space<vmem>>, %arg22: memref<1x14x14x21xf32, #tpu.memory_space<vmem>>, %arg23: memref<20x14x14x21xf32, #tpu.memory_space<vmem>>) attributes {dimension_semantics = [#tpu.dimension_semantics<arbitrary>], iteration_bounds = array<i64: 15>, scalar_prefetch = 2 : i64, scratch_operands = 0 : i64, tpu.core_type = #tpu.core_type<tc>, window_params = [{transform_indices = @transform_0, window_bounds = array<i64: 1, 14, 14, 21>}, {transform_indices = @transform_1, window_bounds = array<i64: 1, 14, 14, 21>}, {transform_indices = @transform_2, window_bounds = array<i64: 1, 14, 14, 21>}, {transform_indices = @transform_3, window_bounds = array<i64: 1, 14, 14, 21>}, {transform_indices = @transform_4, window_bounds = array<i64: 1, 14, 14, 21>}, {transform_indices = @transform_5, window_bounds = array<i64: 1, 14, 14, 21>}, {transform_indices = @transform_6, window_bounds = array<i64: 1, 14, 14, 21>}, {transform_indices = @transform_7, window_bounds = array<i64: 1, 14, 14, 21>}, {transform_indices = @transform_8, window_bounds = array<i64: 1, 14, 14, 21>}, {transform_indices = @transform_9, window_bounds = array<i64: 1, 14, 14, 21>}, {transform_indices = @transform_10, window_bounds = array<i64: 1, 14, 14, 21>}, {transform_indices = @transform_11, window_bounds = array<i64: 1, 14, 14, 21>}, {transform_indices = @transform_12, window_bounds = array<i64: 1, 14, 14, 21>}, {transform_indices = @transform_13, window_bounds = array<i64: 1, 14, 14, 21>}, {transform_indices = @transform_14, window_bounds = array<i64: 1, 14, 14, 21>}, {transform_indices = @transform_15, window_bounds = array<i64: 1, 14, 14, 21>}, {transform_indices = @transform_16, window_bounds = array<i64: 1, 14, 14, 21>}, {transform_indices = @transform_17, window_bounds = array<i64: 1, 14, 14, 21>}, {transform_indices = @transform_18, window_bounds = array<i64: 1, 14, 14, 21>}, {transform_indices = @transform_19, window_bounds = array<i64: 1, 14, 14, 21>}, {transform_indices = @transform_20, window_bounds = array<i64: 20, 14, 14, 21>}]} {
    %get3A = arith.constant 0 : index
    %get3A_0 = memref.load %arg2[%get3A] : memref<1xi32, #tpu.memory_space<smem>>
    %mul3A = arith.constant 20 : i32
    %mul3A_1 = arith.muli %arg0, %mul3A : i32
    %add3A = arith.constant 0 : i32
    %add3A_2 = arith.addi %mul3A_1, %add3A : i32
    %lt3A = arith.cmpi slt, %add3A_2, %get3A_0 : i32
    %jit3A = arith.constant 1.000000e+00 : f32
    %jit3A_3 = arith.constant 0.000000e+00 : f32
    %select_n3A = arith.select %lt3A, %jit3A, %jit3A_3 : f32
    %get3A_4 = arith.constant 0 : index
    %get3A_5 = arith.constant 0 : index
    %get3A_6 = arith.constant 0 : index
    %get3A_7 = arith.constant 0 : index
    %get3A_8 = vector.load %arg3[%get3A_4, %get3A_5, %get3A_6, %get3A_7] : memref<1x14x14x21xf32, #tpu.memory_space<vmem>>, vector<1x14x14x21xf32>
    %mul3A_9 = vector.broadcast %select_n3A : f32 to vector<1x14x14x21xf32>
    %mul3A_10 = arith.mulf %get3A_8, %mul3A_9 : vector<1x14x14x21xf32>
    %swap3A = arith.constant 0 : index
    %swap3A_11 = arith.constant 0 : index
    %swap3A_12 = arith.constant 0 : index
    %swap3A_13 = arith.constant 0 : index
    %swap3A_14 = vector.load %arg23[%swap3A, %swap3A_11, %swap3A_12, %swap3A_13] : memref<20x14x14x21xf32, #tpu.memory_space<vmem>>, vector<1x14x14x21xf32>
    tpu.vector_store %arg23[%swap3A, %swap3A_11, %swap3A_12, %swap3A_13], %mul3A_10 {strides = array<i32>} : memref<20x14x14x21xf32, #tpu.memory_space<vmem>>, vector<1x14x14x21xf32>,
    %mul3A_15 = arith.constant 20 : i32
    %mul3A_16 = arith.muli %arg0, %mul3A_15 : i32
    %add3A_17 = arith.constant 1 : i32
    %add3A_18 = arith.addi %mul3A_16, %add3A_17 : i32
    %lt3A_19 = arith.cmpi slt, %add3A_18, %get3A_0 : i32
    %jit3A_20 = arith.constant 1.000000e+00 : f32
    %jit3A_21 = arith.constant 0.000000e+00 : f32
    %select_n3A_22 = arith.select %lt3A_19, %jit3A_20, %jit3A_21 : f32
    %get3A_23 = arith.constant 0 : index
    %get3A_24 = arith.constant 0 : index
    %get3A_25 = arith.constant 0 : index
    %get3A_26 = arith.constant 0 : index
    %get3A_27 = vector.load %arg4[%get3A_23, %get3A_24, %get3A_25, %get3A_26] : memref<1x14x14x21xf32, #tpu.memory_space<vmem>>, vector<1x14x14x21xf32>
    %mul3A_28 = vector.broadcast %select_n3A_22 : f32 to vector<1x14x14x21xf32>
    %mul3A_29 = arith.mulf %get3A_27, %mul3A_28 : vector<1x14x14x21xf32>
    %swap3A_30 = arith.constant 1 : index
    %swap3A_31 = arith.constant 0 : index
    %swap3A_32 = arith.constant 0 : index
    %swap3A_33 = arith.constant 0 : index
    %swap3A_34 = vector.load %arg23[%swap3A_30, %swap3A_31, %swap3A_32, %swap3A_33] : memref<20x14x14x21xf32, #tpu.memory_space<vmem>>, vector<1x14x14x21xf32>
    tpu.vector_store %arg23[%swap3A_30, %swap3A_31, %swap3A_32, %swap3A_33], %mul3A_29 {strides = array<i32>} : memref<20x14x14x21xf32, #tpu.memory_space<vmem>>, vector<1x14x14x21xf32>,
    %mul3A_35 = arith.constant 20 : i32
    %mul3A_36 = arith.muli %arg0, %mul3A_35 : i32
    %add3A_37 = arith.constant 2 : i32
    %add3A_38 = arith.addi %mul3A_36, %add3A_37 : i32
    %lt3A_39 = arith.cmpi slt, %add3A_38, %get3A_0 : i32
    %jit3A_40 = arith.constant 1.000000e+00 : f32
    %jit3A_41 = arith.constant 0.000000e+00 : f32
    %select_n3A_42 = arith.select %lt3A_39, %jit3A_40, %jit3A_41 : f32
    %get3A_43 = arith.constant 0 : index
    %get3A_44 = arith.constant 0 : index
    %get3A_45 = arith.constant 0 : index
    %get3A_46 = arith.constant 0 : index
    %get3A_47 = vector.load %arg5[%get3A_43, %get3A_44, %get3A_45, %get3A_46] : memref<1x14x14x21xf32, #tpu.memory_space<vmem>>, vector<1x14x14x21xf32>
    %mul3A_48 = vector.broadcast %select_n3A_42 : f32 to vector<1x14x14x21xf32>
    %mul3A_49 = arith.mulf %get3A_47, %mul3A_48 : vector<1x14x14x21xf32>
    %swap3A_50 = arith.constant 2 : index
    %swap3A_51 = arith.constant 0 : index
    %swap3A_52 = arith.constant 0 : index
    %swap3A_53 = arith.constant 0 : index
    %swap3A_54 = vector.load %arg23[%swap3A_50, %swap3A_51, %swap3A_52, %swap3A_53] : memref<20x14x14x21xf32, #tpu.memory_space<vmem>>, vector<1x14x14x21xf32>
    tpu.vector_store %arg23[%swap3A_50, %swap3A_51, %swap3A_52, %swap3A_53], %mul3A_49 {strides = array<i32>} : memref<20x14x14x21xf32, #tpu.memory_space<vmem>>, vector<1x14x14x21xf32>,
    %mul3A_55 = arith.constant 20 : i32
    %mul3A_56 = arith.muli %arg0, %mul3A_55 : i32
    %add3A_57 = arith.constant 3 : i32
    %add3A_58 = arith.addi %mul3A_56, %add3A_57 : i32
    %lt3A_59 = arith.cmpi slt, %add3A_58, %get3A_0 : i32
    %jit3A_60 = arith.constant 1.000000e+00 : f32
    %jit3A_61 = arith.constant 0.000000e+00 : f32
    %select_n3A_62 = arith.select %lt3A_59, %jit3A_60, %jit3A_61 : f32
    %get3A_63 = arith.constant 0 : index
    %get3A_64 = arith.constant 0 : index
    %get3A_65 = arith.constant 0 : index
    %get3A_66 = arith.constant 0 : index
    %get3A_67 = vector.load %arg6[%get3A_63, %get3A_64, %get3A_65, %get3A_66] : memref<1x14x14x21xf32, #tpu.memory_space<vmem>>, vector<1x14x14x21xf32>
    %mul3A_68 = vector.broadcast %select_n3A_62 : f32 to vector<1x14x14x21xf32>
    %mul3A_69 = arith.mulf %get3A_67, %mul3A_68 : vector<1x14x14x21xf32>
    %swap3A_70 = arith.constant 3 : index
    %swap3A_71 = arith.constant 0 : index
    %swap3A_72 = arith.constant 0 : index
    %swap3A_73 = arith.constant 0 : index
    %swap3A_74 = vector.load %arg23[%swap3A_70, %swap3A_71, %swap3A_72, %swap3A_73] : memref<20x14x14x21xf32, #tpu.memory_space<vmem>>, vector<1x14x14x21xf32>
    tpu.vector_store %arg23[%swap3A_70, %swap3A_71, %swap3A_72, %swap3A_73], %mul3A_69 {strides = array<i32>} : memref<20x14x14x21xf32, #tpu.memory_space<vmem>>, vector<1x14x14x21xf32>,
    %mul3A_75 = arith.constant 20 : i32
    %mul3A_76 = arith.muli %arg0, %mul3A_75 : i32
    %add3A_77 = arith.constant 4 : i32
    %add3A_78 = arith.addi %mul3A_76, %add3A_77 : i32
    %lt3A_79 = arith.cmpi slt, %add3A_78, %get3A_0 : i32
    %jit3A_80 = arith.constant 1.000000e+00 : f32
    %jit3A_81 = arith.constant 0.000000e+00 : f32
    %select_n3A_82 = arith.select %lt3A_79, %jit3A_80, %jit3A_81 : f32
    %get3A_83 = arith.constant 0 : index
    %get3A_84 = arith.constant 0 : index
    %get3A_85 = arith.constant 0 : index
    %get3A_86 = arith.constant 0 : index
    %get3A_87 = vector.load %arg7[%get3A_83, %get3A_84, %get3A_85, %get3A_86] : memref<1x14x14x21xf32, #tpu.memory_space<vmem>>, vector<1x14x14x21xf32>
    %mul3A_88 = vector.broadcast %select_n3A_82 : f32 to vector<1x14x14x21xf32>
    %mul3A_89 = arith.mulf %get3A_87, %mul3A_88 : vector<1x14x14x21xf32>
    %swap3A_90 = arith.constant 4 : index
    %swap3A_91 = arith.constant 0 : index
    %swap3A_92 = arith.constant 0 : index
    %swap3A_93 = arith.constant 0 : index
    %swap3A_94 = vector.load %arg23[%swap3A_90, %swap3A_91, %swap3A_92, %swap3A_93] : memref<20x14x14x21xf32, #tpu.memory_space<vmem>>, vector<1x14x14x21xf32>
    tpu.vector_store %arg23[%swap3A_90, %swap3A_91, %swap3A_92, %swap3A_93], %mul3A_89 {strides = array<i32>} : memref<20x14x14x21xf32, #tpu.memory_space<vmem>>, vector<1x14x14x21xf32>,
    %mul3A_95 = arith.constant 20 : i32
    %mul3A_96 = arith.muli %arg0, %mul3A_95 : i32
    %add3A_97 = arith.constant 5 : i32
    %add3A_98 = arith.addi %mul3A_96, %add3A_97 : i32
    %lt3A_99 = arith.cmpi slt, %add3A_98, %get3A_0 : i32
    %jit3A_100 = arith.constant 1.000000e+00 : f32
    %jit3A_101 = arith.constant 0.000000e+00 : f32
    %select_n3A_102 = arith.select %lt3A_99, %jit3A_100, %jit3A_101 : f32
    %get3A_103 = arith.constant 0 : index
    %get3A_104 = arith.constant 0 : index
    %get3A_105 = arith.constant 0 : index
    %get3A_106 = arith.constant 0 : index
    %get3A_107 = vector.load %arg8[%get3A_103, %get3A_104, %get3A_105, %get3A_106] : memref<1x14x14x21xf32, #tpu.memory_space<vmem>>, vector<1x14x14x21xf32>
    %mul3A_108 = vector.broadcast %select_n3A_102 : f32 to vector<1x14x14x21xf32>
    %mul3A_109 = arith.mulf %get3A_107, %mul3A_108 : vector<1x14x14x21xf32>
    %swap3A_110 = arith.constant 5 : index
    %swap3A_111 = arith.constant 0 : index
    %swap3A_112 = arith.constant 0 : index
    %swap3A_113 = arith.constant 0 : index
    %swap3A_114 = vector.load %arg23[%swap3A_110, %swap3A_111, %swap3A_112, %swap3A_113] : memref<20x14x14x21xf32, #tpu.memory_space<vmem>>, vector<1x14x14x21xf32>
    tpu.vector_store %arg23[%swap3A_110, %swap3A_111, %swap3A_112, %swap3A_113], %mul3A_109 {strides = array<i32>} : memref<20x14x14x21xf32, #tpu.memory_space<vmem>>, vector<1x14x14x21xf32>,
    %mul3A_115 = arith.constant 20 : i32
    %mul3A_116 = arith.muli %arg0, %mul3A_115 : i32
    %add3A_117 = arith.constant 6 : i32
    %add3A_118 = arith.addi %mul3A_116, %add3A_117 : i32
    %lt3A_119 = arith.cmpi slt, %add3A_118, %get3A_0 : i32
    %jit3A_120 = arith.constant 1.000000e+00 : f32
    %jit3A_121 = arith.constant 0.000000e+00 : f32
    %select_n3A_122 = arith.select %lt3A_119, %jit3A_120, %jit3A_121 : f32
    %get3A_123 = arith.constant 0 : index
    %get3A_124 = arith.constant 0 : index
    %get3A_125 = arith.constant 0 : index
    %get3A_126 = arith.constant 0 : index
    %get3A_127 = vector.load %arg9[%get3A_123, %get3A_124, %get3A_125, %get3A_126] : memref<1x14x14x21xf32, #tpu.memory_space<vmem>>, vector<1x14x14x21xf32>
    %mul3A_128 = vector.broadcast %select_n3A_122 : f32 to vector<1x14x14x21xf32>
    %mul3A_129 = arith.mulf %get3A_127, %mul3A_128 : vector<1x14x14x21xf32>
    %swap3A_130 = arith.constant 6 : index
    %swap3A_131 = arith.constant 0 : index
    %swap3A_132 = arith.constant 0 : index
    %swap3A_133 = arith.constant 0 : index
    %swap3A_134 = vector.load %arg23[%swap3A_130, %swap3A_131, %swap3A_132, %swap3A_133] : memref<20x14x14x21xf32, #tpu.memory_space<vmem>>, vector<1x14x14x21xf32>
    tpu.vector_store %arg23[%swap3A_130, %swap3A_131, %swap3A_132, %swap3A_133], %mul3A_129 {strides = array<i32>} : memref<20x14x14x21xf32, #tpu.memory_space<vmem>>, vector<1x14x14x21xf32>,
    %mul3A_135 = arith.constant 20 : i32
    %mul3A_136 = arith.muli %arg0, %mul3A_135 : i32
    %add3A_137 = arith.constant 7 : i32
    %add3A_138 = arith.addi %mul3A_136, %add3A_137 : i32
    %lt3A_139 = arith.cmpi slt, %add3A_138, %get3A_0 : i32
    %jit3A_140 = arith.constant 1.000000e+00 : f32
    %jit3A_141 = arith.constant 0.000000e+00 : f32
    %select_n3A_142 = arith.select %lt3A_139, %jit3A_140, %jit3A_141 : f32
    %get3A_143 = arith.constant 0 : index
    %get3A_144 = arith.constant 0 : index
    %get3A_145 = arith.constant 0 : index
    %get3A_146 = arith.constant 0 : index
    %get3A_147 = vector.load %arg10[%get3A_143, %get3A_144, %get3A_145, %get3A_146] : memref<1x14x14x21xf32, #tpu.memory_space<vmem>>, vector<1x14x14x21xf32>
    %mul3A_148 = vector.broadcast %select_n3A_142 : f32 to vector<1x14x14x21xf32>
    %mul3A_149 = arith.mulf %get3A_147, %mul3A_148 : vector<1x14x14x21xf32>
    %swap3A_150 = arith.constant 7 : index
    %swap3A_151 = arith.constant 0 : index
    %swap3A_152 = arith.constant 0 : index
    %swap3A_153 = arith.constant 0 : index
    %swap3A_154 = vector.load %arg23[%swap3A_150, %swap3A_151, %swap3A_152, %swap3A_153] : memref<20x14x14x21xf32, #tpu.memory_space<vmem>>, vector<1x14x14x21xf32>
    tpu.vector_store %arg23[%swap3A_150, %swap3A_151, %swap3A_152, %swap3A_153], %mul3A_149 {strides = array<i32>} : memref<20x14x14x21xf32, #tpu.memory_space<vmem>>, vector<1x14x14x21xf32>,
    %mul3A_155 = arith.constant 20 : i32
    %mul3A_156 = arith.muli %arg0, %mul3A_155 : i32
    %add3A_157 = arith.constant 8 : i32
    %add3A_158 = arith.addi %mul3A_156, %add3A_157 : i32
    %lt3A_159 = arith.cmpi slt, %add3A_158, %get3A_0 : i32
    %jit3A_160 = arith.constant 1.000000e+00 : f32
    %jit3A_161 = arith.constant 0.000000e+00 : f32
    %select_n3A_162 = arith.select %lt3A_159, %jit3A_160, %jit3A_161 : f32
    %get3A_163 = arith.constant 0 : index
    %get3A_164 = arith.constant 0 : index
    %get3A_165 = arith.constant 0 : index
    %get3A_166 = arith.constant 0 : index
    %get3A_167 = vector.load %arg11[%get3A_163, %get3A_164, %get3A_165, %get3A_166] : memref<1x14x14x21xf32, #tpu.memory_space<vmem>>, vector<1x14x14x21xf32>
    %mul3A_168 = vector.broadcast %select_n3A_162 : f32 to vector<1x14x14x21xf32>
    %mul3A_169 = arith.mulf %get3A_167, %mul3A_168 : vector<1x14x14x21xf32>
    %swap3A_170 = arith.constant 8 : index
    %swap3A_171 = arith.constant 0 : index
    %swap3A_172 = arith.constant 0 : index
    %swap3A_173 = arith.constant 0 : index
    %swap3A_174 = vector.load %arg23[%swap3A_170, %swap3A_171, %swap3A_172, %swap3A_173] : memref<20x14x14x21xf32, #tpu.memory_space<vmem>>, vector<1x14x14x21xf32>
    tpu.vector_store %arg23[%swap3A_170, %swap3A_171, %swap3A_172, %swap3A_173], %mul3A_169 {strides = array<i32>} : memref<20x14x14x21xf32, #tpu.memory_space<vmem>>, vector<1x14x14x21xf32>,
    %mul3A_175 = arith.constant 20 : i32
    %mul3A_176 = arith.muli %arg0, %mul3A_175 : i32
    %add3A_177 = arith.constant 9 : i32
    %add3A_178 = arith.addi %mul3A_176, %add3A_177 : i32
    %lt3A_179 = arith.cmpi slt, %add3A_178, %get3A_0 : i32
    %jit3A_180 = arith.constant 1.000000e+00 : f32
    %jit3A_181 = arith.constant 0.000000e+00 : f32
    %select_n3A_182 = arith.select %lt3A_179, %jit3A_180, %jit3A_181 : f32
    %get3A_183 = arith.constant 0 : index
    %get3A_184 = arith.constant 0 : index
    %get3A_185 = arith.constant 0 : index
    %get3A_186 = arith.constant 0 : index
    %get3A_187 = vector.load %arg12[%get3A_183, %get3A_184, %get3A_185, %get3A_186] : memref<1x14x14x21xf32, #tpu.memory_space<vmem>>, vector<1x14x14x21xf32>
    %mul3A_188 = vector.broadcast %select_n3A_182 : f32 to vector<1x14x14x21xf32>
    %mul3A_189 = arith.mulf %get3A_187, %mul3A_188 : vector<1x14x14x21xf32>
    %swap3A_190 = arith.constant 9 : index
    %swap3A_191 = arith.constant 0 : index
    %swap3A_192 = arith.constant 0 : index
    %swap3A_193 = arith.constant 0 : index
    %swap3A_194 = vector.load %arg23[%swap3A_190, %swap3A_191, %swap3A_192, %swap3A_193] : memref<20x14x14x21xf32, #tpu.memory_space<vmem>>, vector<1x14x14x21xf32>
    tpu.vector_store %arg23[%swap3A_190, %swap3A_191, %swap3A_192, %swap3A_193], %mul3A_189 {strides = array<i32>} : memref<20x14x14x21xf32, #tpu.memory_space<vmem>>, vector<1x14x14x21xf32>,
    %mul3A_195 = arith.constant 20 : i32
    %mul3A_196 = arith.muli %arg0, %mul3A_195 : i32
    %add3A_197 = arith.constant 10 : i32
    %add3A_198 = arith.addi %mul3A_196, %add3A_197 : i32
    %lt3A_199 = arith.cmpi slt, %add3A_198, %get3A_0 : i32
    %jit3A_200 = arith.constant 1.000000e+00 : f32
    %jit3A_201 = arith.constant 0.000000e+00 : f32
    %select_n3A_202 = arith.select %lt3A_199, %jit3A_200, %jit3A_201 : f32
    %get3A_203 = arith.constant 0 : index
    %get3A_204 = arith.constant 0 : index
    %get3A_205 = arith.constant 0 : index
    %get3A_206 = arith.constant 0 : index
    %get3A_207 = vector.load %arg13[%get3A_203, %get3A_204, %get3A_205, %get3A_206] : memref<1x14x14x21xf32, #tpu.memory_space<vmem>>, vector<1x14x14x21xf32>
    %mul3A_208 = vector.broadcast %select_n3A_202 : f32 to vector<1x14x14x21xf32>
    %mul3A_209 = arith.mulf %get3A_207, %mul3A_208 : vector<1x14x14x21xf32>
    %swap3A_210 = arith.constant 10 : index
    %swap3A_211 = arith.constant 0 : index
    %swap3A_212 = arith.constant 0 : index
    %swap3A_213 = arith.constant 0 : index
    %swap3A_214 = vector.load %arg23[%swap3A_210, %swap3A_211, %swap3A_212, %swap3A_213] : memref<20x14x14x21xf32, #tpu.memory_space<vmem>>, vector<1x14x14x21xf32>
    tpu.vector_store %arg23[%swap3A_210, %swap3A_211, %swap3A_212, %swap3A_213], %mul3A_209 {strides = array<i32>} : memref<20x14x14x21xf32, #tpu.memory_space<vmem>>, vector<1x14x14x21xf32>,
    %mul3A_215 = arith.constant 20 : i32
    %mul3A_216 = arith.muli %arg0, %mul3A_215 : i32
    %add3A_217 = arith.constant 11 : i32
    %add3A_218 = arith.addi %mul3A_216, %add3A_217 : i32
    %lt3A_219 = arith.cmpi slt, %add3A_218, %get3A_0 : i32
    %jit3A_220 = arith.constant 1.000000e+00 : f32
    %jit3A_221 = arith.constant 0.000000e+00 : f32
    %select_n3A_222 = arith.select %lt3A_219, %jit3A_220, %jit3A_221 : f32
    %get3A_223 = arith.constant 0 : index
    %get3A_224 = arith.constant 0 : index
    %get3A_225 = arith.constant 0 : index
    %get3A_226 = arith.constant 0 : index
    %get3A_227 = vector.load %arg14[%get3A_223, %get3A_224, %get3A_225, %get3A_226] : memref<1x14x14x21xf32, #tpu.memory_space<vmem>>, vector<1x14x14x21xf32>
    %mul3A_228 = vector.broadcast %select_n3A_222 : f32 to vector<1x14x14x21xf32>
    %mul3A_229 = arith.mulf %get3A_227, %mul3A_228 : vector<1x14x14x21xf32>
    %swap3A_230 = arith.constant 11 : index
    %swap3A_231 = arith.constant 0 : index
    %swap3A_232 = arith.constant 0 : index
    %swap3A_233 = arith.constant 0 : index
    %swap3A_234 = vector.load %arg23[%swap3A_230, %swap3A_231, %swap3A_232, %swap3A_233] : memref<20x14x14x21xf32, #tpu.memory_space<vmem>>, vector<1x14x14x21xf32>
    tpu.vector_store %arg23[%swap3A_230, %swap3A_231, %swap3A_232, %swap3A_233], %mul3A_229 {strides = array<i32>} : memref<20x14x14x21xf32, #tpu.memory_space<vmem>>, vector<1x14x14x21xf32>,
    %mul3A_235 = arith.constant 20 : i32
    %mul3A_236 = arith.muli %arg0, %mul3A_235 : i32
    %add3A_237 = arith.constant 12 : i32
    %add3A_238 = arith.addi %mul3A_236, %add3A_237 : i32
    %lt3A_239 = arith.cmpi slt, %add3A_238, %get3A_0 : i32
    %jit3A_240 = arith.constant 1.000000e+00 : f32
    %jit3A_241 = arith.constant 0.000000e+00 : f32
    %select_n3A_242 = arith.select %lt3A_239, %jit3A_240, %jit3A_241 : f32
    %get3A_243 = arith.constant 0 : index
    %get3A_244 = arith.constant 0 : index
    %get3A_245 = arith.constant 0 : index
    %get3A_246 = arith.constant 0 : index
    %get3A_247 = vector.load %arg15[%get3A_243, %get3A_244, %get3A_245, %get3A_246] : memref<1x14x14x21xf32, #tpu.memory_space<vmem>>, vector<1x14x14x21xf32>
    %mul3A_248 = vector.broadcast %select_n3A_242 : f32 to vector<1x14x14x21xf32>
    %mul3A_249 = arith.mulf %get3A_247, %mul3A_248 : vector<1x14x14x21xf32>
    %swap3A_250 = arith.constant 12 : index
    %swap3A_251 = arith.constant 0 : index
    %swap3A_252 = arith.constant 0 : index
    %swap3A_253 = arith.constant 0 : index
    %swap3A_254 = vector.load %arg23[%swap3A_250, %swap3A_251, %swap3A_252, %swap3A_253] : memref<20x14x14x21xf32, #tpu.memory_space<vmem>>, vector<1x14x14x21xf32>
    tpu.vector_store %arg23[%swap3A_250, %swap3A_251, %swap3A_252, %swap3A_253], %mul3A_249 {strides = array<i32>} : memref<20x14x14x21xf32, #tpu.memory_space<vmem>>, vector<1x14x14x21xf32>,
    %mul3A_255 = arith.constant 20 : i32
    %mul3A_256 = arith.muli %arg0, %mul3A_255 : i32
    %add3A_257 = arith.constant 13 : i32
    %add3A_258 = arith.addi %mul3A_256, %add3A_257 : i32
    %lt3A_259 = arith.cmpi slt, %add3A_258, %get3A_0 : i32
    %jit3A_260 = arith.constant 1.000000e+00 : f32
    %jit3A_261 = arith.constant 0.000000e+00 : f32
    %select_n3A_262 = arith.select %lt3A_259, %jit3A_260, %jit3A_261 : f32
    %get3A_263 = arith.constant 0 : index
    %get3A_264 = arith.constant 0 : index
    %get3A_265 = arith.constant 0 : index
    %get3A_266 = arith.constant 0 : index
    %get3A_267 = vector.load %arg16[%get3A_263, %get3A_264, %get3A_265, %get3A_266] : memref<1x14x14x21xf32, #tpu.memory_space<vmem>>, vector<1x14x14x21xf32>
    %mul3A_268 = vector.broadcast %select_n3A_262 : f32 to vector<1x14x14x21xf32>
    %mul3A_269 = arith.mulf %get3A_267, %mul3A_268 : vector<1x14x14x21xf32>
    %swap3A_270 = arith.constant 13 : index
    %swap3A_271 = arith.constant 0 : index
    %swap3A_272 = arith.constant 0 : index
    %swap3A_273 = arith.constant 0 : index
    %swap3A_274 = vector.load %arg23[%swap3A_270, %swap3A_271, %swap3A_272, %swap3A_273] : memref<20x14x14x21xf32, #tpu.memory_space<vmem>>, vector<1x14x14x21xf32>
    tpu.vector_store %arg23[%swap3A_270, %swap3A_271, %swap3A_272, %swap3A_273], %mul3A_269 {strides = array<i32>} : memref<20x14x14x21xf32, #tpu.memory_space<vmem>>, vector<1x14x14x21xf32>,
    %mul3A_275 = arith.constant 20 : i32
    %mul3A_276 = arith.muli %arg0, %mul3A_275 : i32
    %add3A_277 = arith.constant 14 : i32
    %add3A_278 = arith.addi %mul3A_276, %add3A_277 : i32
    %lt3A_279 = arith.cmpi slt, %add3A_278, %get3A_0 : i32
    %jit3A_280 = arith.constant 1.000000e+00 : f32
    %jit3A_281 = arith.constant 0.000000e+00 : f32
    %select_n3A_282 = arith.select %lt3A_279, %jit3A_280, %jit3A_281 : f32
    %get3A_283 = arith.constant 0 : index
    %get3A_284 = arith.constant 0 : index
    %get3A_285 = arith.constant 0 : index
    %get3A_286 = arith.constant 0 : index
    %get3A_287 = vector.load %arg17[%get3A_283, %get3A_284, %get3A_285, %get3A_286] : memref<1x14x14x21xf32, #tpu.memory_space<vmem>>, vector<1x14x14x21xf32>
    %mul3A_288 = vector.broadcast %select_n3A_282 : f32 to vector<1x14x14x21xf32>
    %mul3A_289 = arith.mulf %get3A_287, %mul3A_288 : vector<1x14x14x21xf32>
    %swap3A_290 = arith.constant 14 : index
    %swap3A_291 = arith.constant 0 : index
    %swap3A_292 = arith.constant 0 : index
    %swap3A_293 = arith.constant 0 : index
    %swap3A_294 = vector.load %arg23[%swap3A_290, %swap3A_291, %swap3A_292, %swap3A_293] : memref<20x14x14x21xf32, #tpu.memory_space<vmem>>, vector<1x14x14x21xf32>
    tpu.vector_store %arg23[%swap3A_290, %swap3A_291, %swap3A_292, %swap3A_293], %mul3A_289 {strides = array<i32>} : memref<20x14x14x21xf32, #tpu.memory_space<vmem>>, vector<1x14x14x21xf32>,
    %mul3A_295 = arith.constant 20 : i32
    %mul3A_296 = arith.muli %arg0, %mul3A_295 : i32
    %add3A_297 = arith.constant 15 : i32
    %add3A_298 = arith.addi %mul3A_296, %add3A_297 : i32
    %lt3A_299 = arith.cmpi slt, %add3A_298, %get3A_0 : i32
    %jit3A_300 = arith.constant 1.000000e+00 : f32
    %jit3A_301 = arith.constant 0.000000e+00 : f32
    %select_n3A_302 = arith.select %lt3A_299, %jit3A_300, %jit3A_301 : f32
    %get3A_303 = arith.constant 0 : index
    %get3A_304 = arith.constant 0 : index
    %get3A_305 = arith.constant 0 : index
    %get3A_306 = arith.constant 0 : index
    %get3A_307 = vector.load %arg18[%get3A_303, %get3A_304, %get3A_305, %get3A_306] : memref<1x14x14x21xf32, #tpu.memory_space<vmem>>, vector<1x14x14x21xf32>
    %mul3A_308 = vector.broadcast %select_n3A_302 : f32 to vector<1x14x14x21xf32>
    %mul3A_309 = arith.mulf %get3A_307, %mul3A_308 : vector<1x14x14x21xf32>
    %swap3A_310 = arith.constant 15 : index
    %swap3A_311 = arith.constant 0 : index
    %swap3A_312 = arith.constant 0 : index
    %swap3A_313 = arith.constant 0 : index
    %swap3A_314 = vector.load %arg23[%swap3A_310, %swap3A_311, %swap3A_312, %swap3A_313] : memref<20x14x14x21xf32, #tpu.memory_space<vmem>>, vector<1x14x14x21xf32>
    tpu.vector_store %arg23[%swap3A_310, %swap3A_311, %swap3A_312, %swap3A_313], %mul3A_309 {strides = array<i32>} : memref<20x14x14x21xf32, #tpu.memory_space<vmem>>, vector<1x14x14x21xf32>,
    %mul3A_315 = arith.constant 20 : i32
    %mul3A_316 = arith.muli %arg0, %mul3A_315 : i32
    %add3A_317 = arith.constant 16 : i32
    %add3A_318 = arith.addi %mul3A_316, %add3A_317 : i32
    %lt3A_319 = arith.cmpi slt, %add3A_318, %get3A_0 : i32
    %jit3A_320 = arith.constant 1.000000e+00 : f32
    %jit3A_321 = arith.constant 0.000000e+00 : f32
    %select_n3A_322 = arith.select %lt3A_319, %jit3A_320, %jit3A_321 : f32
    %get3A_323 = arith.constant 0 : index
    %get3A_324 = arith.constant 0 : index
    %get3A_325 = arith.constant 0 : index
    %get3A_326 = arith.constant 0 : index
    %get3A_327 = vector.load %arg19[%get3A_323, %get3A_324, %get3A_325, %get3A_326] : memref<1x14x14x21xf32, #tpu.memory_space<vmem>>, vector<1x14x14x21xf32>
    %mul3A_328 = vector.broadcast %select_n3A_322 : f32 to vector<1x14x14x21xf32>
    %mul3A_329 = arith.mulf %get3A_327, %mul3A_328 : vector<1x14x14x21xf32>
    %swap3A_330 = arith.constant 16 : index
    %swap3A_331 = arith.constant 0 : index
    %swap3A_332 = arith.constant 0 : index
    %swap3A_333 = arith.constant 0 : index
    %swap3A_334 = vector.load %arg23[%swap3A_330, %swap3A_331, %swap3A_332, %swap3A_333] : memref<20x14x14x21xf32, #tpu.memory_space<vmem>>, vector<1x14x14x21xf32>
    tpu.vector_store %arg23[%swap3A_330, %swap3A_331, %swap3A_332, %swap3A_333], %mul3A_329 {strides = array<i32>} : memref<20x14x14x21xf32, #tpu.memory_space<vmem>>, vector<1x14x14x21xf32>,
    %mul3A_335 = arith.constant 20 : i32
    %mul3A_336 = arith.muli %arg0, %mul3A_335 : i32
    %add3A_337 = arith.constant 17 : i32
    %add3A_338 = arith.addi %mul3A_336, %add3A_337 : i32
    %lt3A_339 = arith.cmpi slt, %add3A_338, %get3A_0 : i32
    %jit3A_340 = arith.constant 1.000000e+00 : f32
    %jit3A_341 = arith.constant 0.000000e+00 : f32
    %select_n3A_342 = arith.select %lt3A_339, %jit3A_340, %jit3A_341 : f32
    %get3A_343 = arith.constant 0 : index
    %get3A_344 = arith.constant 0 : index
    %get3A_345 = arith.constant 0 : index
    %get3A_346 = arith.constant 0 : index
    %get3A_347 = vector.load %arg20[%get3A_343, %get3A_344, %get3A_345, %get3A_346] : memref<1x14x14x21xf32, #tpu.memory_space<vmem>>, vector<1x14x14x21xf32>
    %mul3A_348 = vector.broadcast %select_n3A_342 : f32 to vector<1x14x14x21xf32>
    %mul3A_349 = arith.mulf %get3A_347, %mul3A_348 : vector<1x14x14x21xf32>
    %swap3A_350 = arith.constant 17 : index
    %swap3A_351 = arith.constant 0 : index
    %swap3A_352 = arith.constant 0 : index
    %swap3A_353 = arith.constant 0 : index
    %swap3A_354 = vector.load %arg23[%swap3A_350, %swap3A_351, %swap3A_352, %swap3A_353] : memref<20x14x14x21xf32, #tpu.memory_space<vmem>>, vector<1x14x14x21xf32>
    tpu.vector_store %arg23[%swap3A_350, %swap3A_351, %swap3A_352, %swap3A_353], %mul3A_349 {strides = array<i32>} : memref<20x14x14x21xf32, #tpu.memory_space<vmem>>, vector<1x14x14x21xf32>,
    %mul3A_355 = arith.constant 20 : i32
    %mul3A_356 = arith.muli %arg0, %mul3A_355 : i32
    %add3A_357 = arith.constant 18 : i32
    %add3A_358 = arith.addi %mul3A_356, %add3A_357 : i32
    %lt3A_359 = arith.cmpi slt, %add3A_358, %get3A_0 : i32
    %jit3A_360 = arith.constant 1.000000e+00 : f32
    %jit3A_361 = arith.constant 0.000000e+00 : f32
    %select_n3A_362 = arith.select %lt3A_359, %jit3A_360, %jit3A_361 : f32
    %get3A_363 = arith.constant 0 : index
    %get3A_364 = arith.constant 0 : index
    %get3A_365 = arith.constant 0 : index
    %get3A_366 = arith.constant 0 : index
    %get3A_367 = vector.load %arg21[%get3A_363, %get3A_364, %get3A_365, %get3A_366] : memref<1x14x14x21xf32, #tpu.memory_space<vmem>>, vector<1x14x14x21xf32>
    %mul3A_368 = vector.broadcast %select_n3A_362 : f32 to vector<1x14x14x21xf32>
    %mul3A_369 = arith.mulf %get3A_367, %mul3A_368 : vector<1x14x14x21xf32>
    %swap3A_370 = arith.constant 18 : index
    %swap3A_371 = arith.constant 0 : index
    %swap3A_372 = arith.constant 0 : index
    %swap3A_373 = arith.constant 0 : index
    %swap3A_374 = vector.load %arg23[%swap3A_370, %swap3A_371, %swap3A_372, %swap3A_373] : memref<20x14x14x21xf32, #tpu.memory_space<vmem>>, vector<1x14x14x21xf32>
    tpu.vector_store %arg23[%swap3A_370, %swap3A_371, %swap3A_372, %swap3A_373], %mul3A_369 {strides = array<i32>} : memref<20x14x14x21xf32, #tpu.memory_space<vmem>>, vector<1x14x14x21xf32>,
    %mul3A_375 = arith.constant 20 : i32
    %mul3A_376 = arith.muli %arg0, %mul3A_375 : i32
    %add3A_377 = arith.constant 19 : i32
    %add3A_378 = arith.addi %mul3A_376, %add3A_377 : i32
    %lt3A_379 = arith.cmpi slt, %add3A_378, %get3A_0 : i32
    %jit3A_380 = arith.constant 1.000000e+00 : f32
    %jit3A_381 = arith.constant 0.000000e+00 : f32
    %select_n3A_382 = arith.select %lt3A_379, %jit3A_380, %jit3A_381 : f32
    %get3A_383 = arith.constant 0 : index
    %get3A_384 = arith.constant 0 : index
    %get3A_385 = arith.constant 0 : index
    %get3A_386 = arith.constant 0 : index
    %get3A_387 = vector.load %arg22[%get3A_383, %get3A_384, %get3A_385, %get3A_386] : memref<1x14x14x21xf32, #tpu.memory_space<vmem>>, vector<1x14x14x21xf32>
    %mul3A_388 = vector.broadcast %select_n3A_382 : f32 to vector<1x14x14x21xf32>
    %mul3A_389 = arith.mulf %get3A_387, %mul3A_388 : vector<1x14x14x21xf32>
    %swap3A_390 = arith.constant 19 : index
    %swap3A_391 = arith.constant 0 : index
    %swap3A_392 = arith.constant 0 : index
    %swap3A_393 = arith.constant 0 : index
    %swap3A_394 = vector.load %arg23[%swap3A_390, %swap3A_391, %swap3A_392, %swap3A_393] : memref<20x14x14x21xf32, #tpu.memory_space<vmem>>, vector<1x14x14x21xf32>
    tpu.vector_store %arg23[%swap3A_390, %swap3A_391, %swap3A_392, %swap3A_393], %mul3A_389 {strides = array<i32>} : memref<20x14x14x21xf32, #tpu.memory_space<vmem>>, vector<1x14x14x21xf32>,
    return
  }
  func.func @transform_0(%arg0: i32, %arg1: memref<300xi32, #tpu.memory_space<smem>>, %arg2: memref<1xi32, #tpu.memory_space<smem>>) -> (i32, i32, i32, i32) {
    %mul3A = arith.constant 20 : i32
    %mul3A_0 = arith.muli %arg0, %mul3A : i32
    %add3A = arith.constant 0 : i32
    %add3A_1 = arith.addi %mul3A_0, %add3A : i32
    %get3A = arith.index_cast %add3A_1 : i32 to index
    %get3A_2 = memref.load %arg1[%get3A] : memref<300xi32, #tpu.memory_space<smem>>
    %c0_i32 = arith.constant 0 : i32
    %c0_i32_3 = arith.constant 0 : i32
    %c0_i32_4 = arith.constant 0 : i32
    %c0_i32_5 = arith.constant 0 : i32
    return %get3A_2, %c0_i32, %c0_i32_3, %c0_i32_4 : i32, i32, i32, i32
  }
  func.func @transform_1(%arg0: i32, %arg1: memref<300xi32, #tpu.memory_space<smem>>, %arg2: memref<1xi32, #tpu.memory_space<smem>>) -> (i32, i32, i32, i32) {
    %mul3A = arith.constant 20 : i32
    %mul3A_0 = arith.muli %arg0, %mul3A : i32
    %add3A = arith.constant 1 : i32
    %add3A_1 = arith.addi %mul3A_0, %add3A : i32
    %get3A = arith.index_cast %add3A_1 : i32 to index
    %get3A_2 = memref.load %arg1[%get3A] : memref<300xi32, #tpu.memory_space<smem>>
    %c0_i32 = arith.constant 0 : i32
    %c0_i32_3 = arith.constant 0 : i32
    %c0_i32_4 = arith.constant 0 : i32
    %c0_i32_5 = arith.constant 0 : i32
    return %get3A_2, %c0_i32, %c0_i32_3, %c0_i32_4 : i32, i32, i32, i32
  }
  func.func @transform_2(%arg0: i32, %arg1: memref<300xi32, #tpu.memory_space<smem>>, %arg2: memref<1xi32, #tpu.memory_space<smem>>) -> (i32, i32, i32, i32) {
    %mul3A = arith.constant 20 : i32
    %mul3A_0 = arith.muli %arg0, %mul3A : i32
    %add3A = arith.constant 2 : i32
    %add3A_1 = arith.addi %mul3A_0, %add3A : i32
    %get3A = arith.index_cast %add3A_1 : i32 to index
    %get3A_2 = memref.load %arg1[%get3A] : memref<300xi32, #tpu.memory_space<smem>>
    %c0_i32 = arith.constant 0 : i32
    %c0_i32_3 = arith.constant 0 : i32
    %c0_i32_4 = arith.constant 0 : i32
    %c0_i32_5 = arith.constant 0 : i32
    return %get3A_2, %c0_i32, %c0_i32_3, %c0_i32_4 : i32, i32, i32, i32
  }
  func.func @transform_3(%arg0: i32, %arg1: memref<300xi32, #tpu.memory_space<smem>>, %arg2: memref<1xi32, #tpu.memory_space<smem>>) -> (i32, i32, i32, i32) {
    %mul3A = arith.constant 20 : i32
    %mul3A_0 = arith.muli %arg0, %mul3A : i32
    %add3A = arith.constant 3 : i32
    %add3A_1 = arith.addi %mul3A_0, %add3A : i32
    %get3A = arith.index_cast %add3A_1 : i32 to index
    %get3A_2 = memref.load %arg1[%get3A] : memref<300xi32, #tpu.memory_space<smem>>
    %c0_i32 = arith.constant 0 : i32
    %c0_i32_3 = arith.constant 0 : i32
    %c0_i32_4 = arith.constant 0 : i32
    %c0_i32_5 = arith.constant 0 : i32
    return %get3A_2, %c0_i32, %c0_i32_3, %c0_i32_4 : i32, i32, i32, i32
  }
  func.func @transform_4(%arg0: i32, %arg1: memref<300xi32, #tpu.memory_space<smem>>, %arg2: memref<1xi32, #tpu.memory_space<smem>>) -> (i32, i32, i32, i32) {
    %mul3A = arith.constant 20 : i32
    %mul3A_0 = arith.muli %arg0, %mul3A : i32
    %add3A = arith.constant 4 : i32
    %add3A_1 = arith.addi %mul3A_0, %add3A : i32
    %get3A = arith.index_cast %add3A_1 : i32 to index
    %get3A_2 = memref.load %arg1[%get3A] : memref<300xi32, #tpu.memory_space<smem>>
    %c0_i32 = arith.constant 0 : i32
    %c0_i32_3 = arith.constant 0 : i32
    %c0_i32_4 = arith.constant 0 : i32
    %c0_i32_5 = arith.constant 0 : i32
    return %get3A_2, %c0_i32, %c0_i32_3, %c0_i32_4 : i32, i32, i32, i32
  }
  func.func @transform_5(%arg0: i32, %arg1: memref<300xi32, #tpu.memory_space<smem>>, %arg2: memref<1xi32, #tpu.memory_space<smem>>) -> (i32, i32, i32, i32) {
    %mul3A = arith.constant 20 : i32
    %mul3A_0 = arith.muli %arg0, %mul3A : i32
    %add3A = arith.constant 5 : i32
    %add3A_1 = arith.addi %mul3A_0, %add3A : i32
    %get3A = arith.index_cast %add3A_1 : i32 to index
    %get3A_2 = memref.load %arg1[%get3A] : memref<300xi32, #tpu.memory_space<smem>>
    %c0_i32 = arith.constant 0 : i32
    %c0_i32_3 = arith.constant 0 : i32
    %c0_i32_4 = arith.constant 0 : i32
    %c0_i32_5 = arith.constant 0 : i32
    return %get3A_2, %c0_i32, %c0_i32_3, %c0_i32_4 : i32, i32, i32, i32
  }
  func.func @transform_6(%arg0: i32, %arg1: memref<300xi32, #tpu.memory_space<smem>>, %arg2: memref<1xi32, #tpu.memory_space<smem>>) -> (i32, i32, i32, i32) {
    %mul3A = arith.constant 20 : i32
    %mul3A_0 = arith.muli %arg0, %mul3A : i32
    %add3A = arith.constant 6 : i32
    %add3A_1 = arith.addi %mul3A_0, %add3A : i32
    %get3A = arith.index_cast %add3A_1 : i32 to index
    %get3A_2 = memref.load %arg1[%get3A] : memref<300xi32, #tpu.memory_space<smem>>
    %c0_i32 = arith.constant 0 : i32
    %c0_i32_3 = arith.constant 0 : i32
    %c0_i32_4 = arith.constant 0 : i32
    %c0_i32_5 = arith.constant 0 : i32
    return %get3A_2, %c0_i32, %c0_i32_3, %c0_i32_4 : i32, i32, i32, i32
  }
  func.func @transform_7(%arg0: i32, %arg1: memref<300xi32, #tpu.memory_space<smem>>, %arg2: memref<1xi32, #tpu.memory_space<smem>>) -> (i32, i32, i32, i32) {
    %mul3A = arith.constant 20 : i32
    %mul3A_0 = arith.muli %arg0, %mul3A : i32
    %add3A = arith.constant 7 : i32
    %add3A_1 = arith.addi %mul3A_0, %add3A : i32
    %get3A = arith.index_cast %add3A_1 : i32 to index
    %get3A_2 = memref.load %arg1[%get3A] : memref<300xi32, #tpu.memory_space<smem>>
    %c0_i32 = arith.constant 0 : i32
    %c0_i32_3 = arith.constant 0 : i32
    %c0_i32_4 = arith.constant 0 : i32
    %c0_i32_5 = arith.constant 0 : i32
    return %get3A_2, %c0_i32, %c0_i32_3, %c0_i32_4 : i32, i32, i32, i32
  }
  func.func @transform_8(%arg0: i32, %arg1: memref<300xi32, #tpu.memory_space<smem>>, %arg2: memref<1xi32, #tpu.memory_space<smem>>) -> (i32, i32, i32, i32) {
    %mul3A = arith.constant 20 : i32
    %mul3A_0 = arith.muli %arg0, %mul3A : i32
    %add3A = arith.constant 8 : i32
    %add3A_1 = arith.addi %mul3A_0, %add3A : i32
    %get3A = arith.index_cast %add3A_1 : i32 to index
    %get3A_2 = memref.load %arg1[%get3A] : memref<300xi32, #tpu.memory_space<smem>>
    %c0_i32 = arith.constant 0 : i32
    %c0_i32_3 = arith.constant 0 : i32
    %c0_i32_4 = arith.constant 0 : i32
    %c0_i32_5 = arith.constant 0 : i32
    return %get3A_2, %c0_i32, %c0_i32_3, %c0_i32_4 : i32, i32, i32, i32
  }
  func.func @transform_9(%arg0: i32, %arg1: memref<300xi32, #tpu.memory_space<smem>>, %arg2: memref<1xi32, #tpu.memory_space<smem>>) -> (i32, i32, i32, i32) {
    %mul3A = arith.constant 20 : i32
    %mul3A_0 = arith.muli %arg0, %mul3A : i32
    %add3A = arith.constant 9 : i32
    %add3A_1 = arith.addi %mul3A_0, %add3A : i32
    %get3A = arith.index_cast %add3A_1 : i32 to index
    %get3A_2 = memref.load %arg1[%get3A] : memref<300xi32, #tpu.memory_space<smem>>
    %c0_i32 = arith.constant 0 : i32
    %c0_i32_3 = arith.constant 0 : i32
    %c0_i32_4 = arith.constant 0 : i32
    %c0_i32_5 = arith.constant 0 : i32
    return %get3A_2, %c0_i32, %c0_i32_3, %c0_i32_4 : i32, i32, i32, i32
  }
  func.func @transform_10(%arg0: i32, %arg1: memref<300xi32, #tpu.memory_space<smem>>, %arg2: memref<1xi32, #tpu.memory_space<smem>>) -> (i32, i32, i32, i32) {
    %mul3A = arith.constant 20 : i32
    %mul3A_0 = arith.muli %arg0, %mul3A : i32
    %add3A = arith.constant 10 : i32
    %add3A_1 = arith.addi %mul3A_0, %add3A : i32
    %get3A = arith.index_cast %add3A_1 : i32 to index
    %get3A_2 = memref.load %arg1[%get3A] : memref<300xi32, #tpu.memory_space<smem>>
    %c0_i32 = arith.constant 0 : i32
    %c0_i32_3 = arith.constant 0 : i32
    %c0_i32_4 = arith.constant 0 : i32
    %c0_i32_5 = arith.constant 0 : i32
    return %get3A_2, %c0_i32, %c0_i32_3, %c0_i32_4 : i32, i32, i32, i32
  }
  func.func @transform_11(%arg0: i32, %arg1: memref<300xi32, #tpu.memory_space<smem>>, %arg2: memref<1xi32, #tpu.memory_space<smem>>) -> (i32, i32, i32, i32) {
    %mul3A = arith.constant 20 : i32
    %mul3A_0 = arith.muli %arg0, %mul3A : i32
    %add3A = arith.constant 11 : i32
    %add3A_1 = arith.addi %mul3A_0, %add3A : i32
    %get3A = arith.index_cast %add3A_1 : i32 to index
    %get3A_2 = memref.load %arg1[%get3A] : memref<300xi32, #tpu.memory_space<smem>>
    %c0_i32 = arith.constant 0 : i32
    %c0_i32_3 = arith.constant 0 : i32
    %c0_i32_4 = arith.constant 0 : i32
    %c0_i32_5 = arith.constant 0 : i32
    return %get3A_2, %c0_i32, %c0_i32_3, %c0_i32_4 : i32, i32, i32, i32
  }
  func.func @transform_12(%arg0: i32, %arg1: memref<300xi32, #tpu.memory_space<smem>>, %arg2: memref<1xi32, #tpu.memory_space<smem>>) -> (i32, i32, i32, i32) {
    %mul3A = arith.constant 20 : i32
    %mul3A_0 = arith.muli %arg0, %mul3A : i32
    %add3A = arith.constant 12 : i32
    %add3A_1 = arith.addi %mul3A_0, %add3A : i32
    %get3A = arith.index_cast %add3A_1 : i32 to index
    %get3A_2 = memref.load %arg1[%get3A] : memref<300xi32, #tpu.memory_space<smem>>
    %c0_i32 = arith.constant 0 : i32
    %c0_i32_3 = arith.constant 0 : i32
    %c0_i32_4 = arith.constant 0 : i32
    %c0_i32_5 = arith.constant 0 : i32
    return %get3A_2, %c0_i32, %c0_i32_3, %c0_i32_4 : i32, i32, i32, i32
  }
  func.func @transform_13(%arg0: i32, %arg1: memref<300xi32, #tpu.memory_space<smem>>, %arg2: memref<1xi32, #tpu.memory_space<smem>>) -> (i32, i32, i32, i32) {
    %mul3A = arith.constant 20 : i32
    %mul3A_0 = arith.muli %arg0, %mul3A : i32
    %add3A = arith.constant 13 : i32
    %add3A_1 = arith.addi %mul3A_0, %add3A : i32
    %get3A = arith.index_cast %add3A_1 : i32 to index
    %get3A_2 = memref.load %arg1[%get3A] : memref<300xi32, #tpu.memory_space<smem>>
    %c0_i32 = arith.constant 0 : i32
    %c0_i32_3 = arith.constant 0 : i32
    %c0_i32_4 = arith.constant 0 : i32
    %c0_i32_5 = arith.constant 0 : i32
    return %get3A_2, %c0_i32, %c0_i32_3, %c0_i32_4 : i32, i32, i32, i32
  }
  func.func @transform_14(%arg0: i32, %arg1: memref<300xi32, #tpu.memory_space<smem>>, %arg2: memref<1xi32, #tpu.memory_space<smem>>) -> (i32, i32, i32, i32) {
    %mul3A = arith.constant 20 : i32
    %mul3A_0 = arith.muli %arg0, %mul3A : i32
    %add3A = arith.constant 14 : i32
    %add3A_1 = arith.addi %mul3A_0, %add3A : i32
    %get3A = arith.index_cast %add3A_1 : i32 to index
    %get3A_2 = memref.load %arg1[%get3A] : memref<300xi32, #tpu.memory_space<smem>>
    %c0_i32 = arith.constant 0 : i32
    %c0_i32_3 = arith.constant 0 : i32
    %c0_i32_4 = arith.constant 0 : i32
    %c0_i32_5 = arith.constant 0 : i32
    return %get3A_2, %c0_i32, %c0_i32_3, %c0_i32_4 : i32, i32, i32, i32
  }
  func.func @transform_15(%arg0: i32, %arg1: memref<300xi32, #tpu.memory_space<smem>>, %arg2: memref<1xi32, #tpu.memory_space<smem>>) -> (i32, i32, i32, i32) {
    %mul3A = arith.constant 20 : i32
    %mul3A_0 = arith.muli %arg0, %mul3A : i32
    %add3A = arith.constant 15 : i32
    %add3A_1 = arith.addi %mul3A_0, %add3A : i32
    %get3A = arith.index_cast %add3A_1 : i32 to index
    %get3A_2 = memref.load %arg1[%get3A] : memref<300xi32, #tpu.memory_space<smem>>
    %c0_i32 = arith.constant 0 : i32
    %c0_i32_3 = arith.constant 0 : i32
    %c0_i32_4 = arith.constant 0 : i32
    %c0_i32_5 = arith.constant 0 : i32
    return %get3A_2, %c0_i32, %c0_i32_3, %c0_i32_4 : i32, i32, i32, i32
  }
  func.func @transform_16(%arg0: i32, %arg1: memref<300xi32, #tpu.memory_space<smem>>, %arg2: memref<1xi32, #tpu.memory_space<smem>>) -> (i32, i32, i32, i32) {
    %mul3A = arith.constant 20 : i32
    %mul3A_0 = arith.muli %arg0, %mul3A : i32
    %add3A = arith.constant 16 : i32
    %add3A_1 = arith.addi %mul3A_0, %add3A : i32
    %get3A = arith.index_cast %add3A_1 : i32 to index
    %get3A_2 = memref.load %arg1[%get3A] : memref<300xi32, #tpu.memory_space<smem>>
    %c0_i32 = arith.constant 0 : i32
    %c0_i32_3 = arith.constant 0 : i32
    %c0_i32_4 = arith.constant 0 : i32
    %c0_i32_5 = arith.constant 0 : i32
    return %get3A_2, %c0_i32, %c0_i32_3, %c0_i32_4 : i32, i32, i32, i32
  }
  func.func @transform_17(%arg0: i32, %arg1: memref<300xi32, #tpu.memory_space<smem>>, %arg2: memref<1xi32, #tpu.memory_space<smem>>) -> (i32, i32, i32, i32) {
    %mul3A = arith.constant 20 : i32
    %mul3A_0 = arith.muli %arg0, %mul3A : i32
    %add3A = arith.constant 17 : i32
    %add3A_1 = arith.addi %mul3A_0, %add3A : i32
    %get3A = arith.index_cast %add3A_1 : i32 to index
    %get3A_2 = memref.load %arg1[%get3A] : memref<300xi32, #tpu.memory_space<smem>>
    %c0_i32 = arith.constant 0 : i32
    %c0_i32_3 = arith.constant 0 : i32
    %c0_i32_4 = arith.constant 0 : i32
    %c0_i32_5 = arith.constant 0 : i32
    return %get3A_2, %c0_i32, %c0_i32_3, %c0_i32_4 : i32, i32, i32, i32
  }
  func.func @transform_18(%arg0: i32, %arg1: memref<300xi32, #tpu.memory_space<smem>>, %arg2: memref<1xi32, #tpu.memory_space<smem>>) -> (i32, i32, i32, i32) {
    %mul3A = arith.constant 20 : i32
    %mul3A_0 = arith.muli %arg0, %mul3A : i32
    %add3A = arith.constant 18 : i32
    %add3A_1 = arith.addi %mul3A_0, %add3A : i32
    %get3A = arith.index_cast %add3A_1 : i32 to index
    %get3A_2 = memref.load %arg1[%get3A] : memref<300xi32, #tpu.memory_space<smem>>
    %c0_i32 = arith.constant 0 : i32
    %c0_i32_3 = arith.constant 0 : i32
    %c0_i32_4 = arith.constant 0 : i32
    %c0_i32_5 = arith.constant 0 : i32
    return %get3A_2, %c0_i32, %c0_i32_3, %c0_i32_4 : i32, i32, i32, i32
  }
  func.func @transform_19(%arg0: i32, %arg1: memref<300xi32, #tpu.memory_space<smem>>, %arg2: memref<1xi32, #tpu.memory_space<smem>>) -> (i32, i32, i32, i32) {
    %mul3A = arith.constant 20 : i32
    %mul3A_0 = arith.muli %arg0, %mul3A : i32
    %add3A = arith.constant 19 : i32
    %add3A_1 = arith.addi %mul3A_0, %add3A : i32
    %get3A = arith.index_cast %add3A_1 : i32 to index
    %get3A_2 = memref.load %arg1[%get3A] : memref<300xi32, #tpu.memory_space<smem>>
    %c0_i32 = arith.constant 0 : i32
    %c0_i32_3 = arith.constant 0 : i32
    %c0_i32_4 = arith.constant 0 : i32
    %c0_i32_5 = arith.constant 0 : i32
    return %get3A_2, %c0_i32, %c0_i32_3, %c0_i32_4 : i32, i32, i32, i32
  }
  func.func @transform_20(%arg0: i32, %arg1: memref<300xi32, #tpu.memory_space<smem>>, %arg2: memref<1xi32, #tpu.memory_space<smem>>) -> (i32, i32, i32, i32) {
    %c0_i32 = arith.constant 0 : i32
    %c0_i32_0 = arith.constant 0 : i32
    %c0_i32_1 = arith.constant 0 : i32
    %c0_i32_2 = arith.constant 0 : i32
    return %arg0, %c0_i32, %c0_i32_0, %c0_i32_1 : i32, i32, i32, i32
  }
}

</mosaic_0001>

<sc_bundles>
// kernel: kernel.5.cloned.1.call-start
scs
__scs_entry_jumppad:
0x0: {  	(pc) =	sbr.rel $0x88, $3  }
0x1: {  	(tag) =	ssettag $0x0;
	lr =	simm.s32 $0x1  }
0x2: {  	[smem:$0x3F9C] =	sst lr;
	_ =	strace $0xD0000000  }
0x3: {  	_ = 	snop  }
0x4: {  	_ = 	snop  }
0x5: {  	_ = 	snop  }
0x6: {  	_ = 	snop  }
0x7: {  	_ = 	snop  }
__scs_overlays_trampoline_lowered:
0x8: {  	[smem:$0x3FAB] =	sst s0  }
0x9: {  	[smem:$0x3FAC] =	sst s1  }
0xa: {  	[smem:$0x3FAD] =	sst s2  }
0xb: {  	[smem:$0x3FAE] =	sst s3  }
0xc: {  	[smem:$0x3FAF] =	sst s4  }
0xd: {  	[smem:$0x3FB0] =	sst s5  }
0xe: {  	[smem:$0x3FB1] =	sst s6  }
0xf: {  	[smem:$0x3FB2] =	sst s7  }
0x10: {  	[smem:$0x3FB3] =	sst s8  }
0x11: {  	[smem:$0x3FB4] =	sst s9;
	s0 =	simm.s32 @!p0 $0x0  }
0x12: {  	s1 =	sld [smem:$0x3F9A];
	s0 =	simm.s32 @p0 $0x1  }
0x13: {  	[smem:$0x3FB5] =	sst s0;
	s0 =	simm.s32 @!p1 $0x0  }
0x14: {  	s2 =	sld [smem:$0x3F99];
	s0 =	simm.s32 @p1 $0x1  }
0x15: {  	[smem:$0x3FB6] =	sst s0;
	s0 =	simm.s32 @!p2 $0x0  }
0x16: {  	s3 =	sld [smem:$0x3FDB];
	s0 =	simm.s32 @p2 $0x1  }
0x17: {  	s4 =	simm.s32 $0x1BF5;
	[smem:$0x3FB8] =	sst s0  }
0x18: {  	s0 =	sld [smem:$0x3F9B];
	_ =	swait.ge [sflag:s4], $0x0  }
0x19: {  	s7 =	sld [smem:$0x3F9C]  }
0x1a: {  	s8 =	sadd.s32 $0xFFFFE003, lr  }
0x1b: {  	s9 =	sadd.s32 $0xFFFFFEF7, lr;
	s5 =	simm.s32 $0xFFFFFFFF;
	p2 =	slt.u32 s8, $0xFFFFF086  }
0x1c: {  	p1 =	slt.u32 s9, $0xF7A;
	s5 =	simm.s32 @!p2 $0x0  }
0x1d: {  	s5 =	simm.s32 @p1 $0x1;
	p0 =	seq.s32 s7, s2  }
0x1e: {  	s7 =	smul.u32 @!p0 $0xF7A, s2;
	p2 =	seq.s32 @!p0 s5, $0x0  }
0x1f: {  	s9 =	smul.u32 $0xF7A, s1;
	s8 =	simm.s32 @!p0 $0x1BF5;
	p2 =	por !p2, p0  }
0x20: {  	[sflag:s8] =	ssyncset.s32 @!p0 $0xFFFFF086;
	s6 =	sadd.s32 @!p0 s3, s7;
	s7 =	simm.s32 @!p0 $0x108  }
0x21: {  	s3 =	sadd.s32 s3, s9;
	s6 =	sadd.s32 @!p0 $0x88, s6;
	s7 =	simm.s32 @p2 $0x1082  }
0x22: {  	[simem:s7], [sflag:s8] =	dma.local @!p0 [hbm:s6], $0xF7A  }
0x23: {  	s9 =	sor.u32 $0xD0000000, s2;
	s6 =	simm.s32 $0x108;
	_ =	swait.ge @!p0 [sflag:s8], $0x0  }
0x24: {  	s3 =	sadd.s32 $0x88, s3;
	s6 =	simm.s32 @!p1 $0x1082;
	[sflag:s4] =	ssyncset.s32 $0xFFFFF086  }
0x25: {  	[simem:s6], [sflag:s4] =	dma.local [hbm:s3], $0xF7A  }
0x26: {  	[smem:$0x3F9C] =	sst s1;
	(tag) =	ssettag s2;
	_ =	strace s9  }
0x27: {  	s1 =	sld [smem:$0x3FAC]  }
0x28: {  	s2 =	sld [smem:$0x3FAD]  }
0x29: {  	s4 =	sld [smem:$0x3FAF]  }
0x2a: {  	p0 =	seq.s32 s5, $0x0;
	s5 =	sld [smem:$0x3FB0]  }
0x2b: {  	s6 =	sld [smem:$0x3FB1]  }
0x2c: {  	s7 =	sld [smem:$0x3FB2]  }
0x2d: {  	s3 =	simm.s32 $0x108;
	s8 =	sld [smem:$0x3FB3]  }
0x2e: {  	s3 =	simm.s32 @!p0 $0x1082;
	s9 =	sld [smem:$0x3FB4]  }
0x2f: {  	lr =	sadd.s32 s0, s3;
	s0 =	sld [smem:$0x3FAB]  }
0x30: {  	s3 =	sld [smem:$0x3FAE]  }
0x31: {  	[smem:$0x3FB7] =	sst s10  }
0x32: {  	s10 =	sld [smem:$0x3FB5];
	_ =	sdelay $0x3  }
0x33: {  	p0 =	seq.s32 s10, $0x1;
	s10 =	sld [smem:$0x3FB7];
	_ =	sdelay $0x3  }
0x34: {  	[smem:$0x3FB7] =	sst s10  }
0x35: {  	s10 =	sld [smem:$0x3FB6];
	_ =	sdelay $0x3  }
0x36: {  	p1 =	seq.s32 s10, $0x1;
	s10 =	sld [smem:$0x3FB7];
	_ =	sdelay $0x3  }
0x37: {  	[smem:$0x3FB7] =	sst s10  }
0x38: {  	s10 =	sld [smem:$0x3FB8]  }
0x39: {  	_ = 	snop;
	(pc) =	sbr.ind lr, $3  }
0x3a: {  	_ = 	snop  }
0x3b: {  	_ = 	snop  }
0x3c: {  	p2 =	seq.s32 s10, $0x1;
	s10 =	sld [smem:$0x3FB7]  }
0x3d: {  	_ =	shalt  }
0x3e: {  	_ =	shalt  }
0x3f: {  	_ =	shalt  }
0x40: {  	_ =	shalt  }
0x41: {  	_ =	shalt  }
0x42: {  	_ =	shalt  }
0x43: {  	_ =	shalt  }
0x44: {  	_ =	shalt  }
0x45: {  	_ =	shalt  }
0x46: {  	_ =	shalt  }
0x47: {  	_ =	shalt  }
0x48: {  	_ =	shalt  }
0x49: {  	_ =	shalt  }
0x4a: {  	_ =	shalt  }
0x4b: {  	_ =	shalt  }
0x4c: {  	_ =	shalt  }
0x4d: {  	_ =	shalt  }
0x4e: {  	_ =	shalt  }
0x4f: {  	_ =	shalt  }
0x50: {  	_ =	shalt  }
0x51: {  	_ =	shalt  }
0x52: {  	_ =	shalt  }
0x53: {  	_ =	shalt  }
0x54: {  	_ =	shalt  }
0x55: {  	_ =	shalt  }
0x56: {  	_ =	shalt  }
0x57: {  	_ =	shalt  }
0x58: {  	_ =	shalt  }
0x59: {  	_ =	shalt  }
0x5a: {  	_ =	shalt  }
0x5b: {  	_ =	shalt  }
0x5c: {  	_ =	shalt  }
0x5d: {  	_ =	shalt  }
0x5e: {  	_ =	shalt  }
0x5f: {  	_ =	shalt  }
0x60: {  	_ =	shalt  }
0x61: {  	_ =	shalt  }
0x62: {  	_ =	shalt  }
0x63: {  	_ =	shalt  }
0x64: {  	_ =	shalt  }
0x65: {  	_ =	shalt  }
0x66: {  	_ =	shalt  }
0x67: {  	_ =	shalt  }
0x68: {  	_ =	shalt  }
0x69: {  	_ =	shalt  }
0x6a: {  	_ =	shalt  }
0x6b: {  	_ =	shalt  }
0x6c: {  	_ =	shalt  }
0x6d: {  	_ =	shalt  }
0x6e: {  	_ =	shalt  }
0x6f: {  	_ =	shalt  }
0x70: {  	_ =	shalt  }
0x71: {  	_ =	shalt  }
0x72: {  	_ =	shalt  }
0x73: {  	_ =	shalt  }
0x74: {  	_ =	shalt  }
0x75: {  	_ =	shalt  }
0x76: {  	_ =	shalt  }
0x77: {  	_ =	shalt  }
0x78: {  	_ =	shalt  }
0x79: {  	_ =	shalt  }
0x7a: {  	_ =	shalt  }
0x7b: {  	_ =	shalt  }
0x7c: {  	_ =	shalt  }
0x7d: {  	_ =	shalt  }
0x7e: {  	_ =	shalt  }
0x7f: {  	_ =	shalt  }
0x80: {  	_ =	shalt  }
0x81: {  	_ =	shalt  }
0x82: {  	_ =	shalt  }
0x83: {  	_ =	shalt  }
0x84: {  	_ =	shalt  }
0x85: {  	_ =	shalt  }
0x86: {  	_ =	shalt  }
0x87: {  	_ =	shalt  }
.Lfunc_end0:
.L_simem_size_0:
called_computation_lowered:
.L_overlay_start_0:
0x88: {  	s2 =	sld [smem:$0x3FD9]  }
0x89: {  	s3 =	sld [smem:$0x3FFE];
	_ =	sdelay $0x1  }
0x8a: {  	s1 =	srdreg.scid  }
0x8b: {  	s0 =	sand.u32 $0x1, s1  }
0x8c: {  	s14 =	sshll.u32 s0, $0xA;
	s2 =	sadd.s32 s3, s2  }
0x8d: {  	s2 =	sadd.s32 s2, s14  }
0x8e: {  	[smem:$0x3FC3] =	sst s2  }
0x8f: {  	_ = 	snop  }
0x90: {  	s2 =	sld [smem:$0x3FD0];
	_ =	sdelay $0x2  }
0x91: {  	s15 =	simm.s32 $0xA;
	s4 =	simm.s32 $0x10  }
0x92: {  	[smem:s4], [sflag:s15] =	dma.local [hbm:s2], $0x1  }
0x93: {  	_ =	swait.eq [sflag:s15], $0x1  }
0x94: {  	[sflag:s15] =	ssyncset.done $0x0  }
0x95: {  	[sflag:s15] =	ssyncadd.s32 $0xFFFFFFFF  }
0x96: {  	s16 =	sld [smem:$0x10];
	(tm) =	ssettm $0x1  }
0x97: {  	s17 =	sld [smem:$0x3FFB];
	_ =	sdelay $0x3  }
0x98: {  	_ =	strace s17  }
0x99: {  	s3 =	sld [smem:$0x3FFC];
	_ =	sdelay $0x3  }
0x9a: {  	_ =	strace s3  }
0x9b: {  	s3 =	sld [smem:$0x3FFD];
	_ =	sdelay $0x3  }
0x9c: {  	_ =	strace s3  }
0x9d: {  	_ =	strace $0x8FFFFFFF  }
0x9e: {  	s18 =	sld [smem:$0x3FDB];
	_ =	sdelay $0x1  }
0x9f: {  	s19 =	simm.s32 $_scs_section_size  }
0xa0: {  	s5 =	simm.s32 $_size__tile_overlayer_lowered;
	s6 =	simm.s32 $_tile_overlayer_lowered  }
0xa1: {  	s22 =	simm.s32 $0x1BFF;
	s21 =	sshll.u32 s6, $0x1;
	s3 =	sadd.s32 s19, s18  }
0xa2: {  	s7 =	simm.s32 $0x0;
	s20 =	sshll.u32 s5, $0x1;
	s5 =	sadd.s32 s21, s3  }
0xa3: {  	[timem:s7], [sflag:s22] =	dma.local [hbm:s5], s20  }
0xa4: {  	_ =	swait.ge [sflag:s22], s20  }
0xa5: {  	s4 =	ssub.s32 $0x0, s20;
	[sflag:s22] =	ssyncset.done $0x0  }
0xa6: {  	[sflag:s22] =	ssyncadd.s32 s4;
	_ =	sdelay $0x1  }
0xa7: {  	s23 =	simm.s32 $0x1B8B  }
0xa8: {  	_ =	swait.ge [sflag:s23], $0x1  }
0xa9: {  	[sflag:s23] =	ssyncset.done $0x0  }
0xaa: {  	s25 =	simm.s32 $0x1B8E;
	s24 =	sld [smem:$0x3FFE];
	[sflag:s23] =	ssyncadd.s32 $0xFFFFFFFF  }
0xab: {  	s26 =	simm.s32 $execute0_lowered;
	[smem:$0x3FD2] =	sst s25  }
0xac: {  	s5 =	sshll.u32 s26, $0x1;
	_ =	strace $0x80000046;
	[dreg:$0x1] =	wrdreg $0xFFFFFFFF  }
0xad: {  	s28 =	simm.s32 $_size_execute0_lowered;
	s3 =	sadd.s32 s3, s5;
	[dreg:$0x0] =	wrdreg $0x0  }
0xae: {  	s5 =	sshll.u32 s28, $0x1;
	[dreg:$0x2] =	wrdreg s3  }
0xaf: {  	[dreg:$0x3] =	wrdreg s5  }
0xb0: {  	[dreg:$0x4] =	wrdreg $0xC0  }
0xb1: {  	_ =	task [dreg:s7], $0x5FFFF  }
0xb2: {  	[dreg:$0x1] =	wrdreg $0xFFFFFFFF  }
0xb3: {  	[dreg:$0x0] =	wrdreg $0x60  }
0xb4: {  	[dreg:$0x2] =	wrdreg s16  }
0xb5: {  	[dreg:$0x3] =	wrdreg s24  }
0xb6: {  	[dreg:$0x4] =	wrdreg $0x9  }
0xb7: {  	_ =	task.clear_ibuf [dreg:s7], $0x5FFFF;
	_ =	strace $0x90000046  }
0xb8: {  	s29 =	simm.s32 $0x9;
	_ =	strace $0x80000048  }
0xb9: {  	_ =	swait.ge [sflag:s29], $0x1  }
0xba: {  	[sflag:s29] =	ssyncadd.s32 $0xFFFFFFFF  }
0xbb: {  	_ =	strace $0x90000048  }
0xbc: {  	_ =	sfence  }
0xbd: {  	s30 =	sld [smem:$0x0];
	_ =	sdelay $0x2  }
0xbe: {  	s31 =	sshll.u32 s1, $0xD;
	s1 =	sshrl.u32 s1, $0x2  }
0xbf: {  	s3 =	sand.u32 $0x4000, s31;
	s1 =	sadd.s32 s1, s30  }
0xc0: {  	s0 =	sor.u32 s3, s0;
	s1 =	sshll.u32 s1, $0x11  }
0xc1: {  	s0 =	sor.u32 s1, s0  }
0xc2: {  	s0 =	sadd.s32 $0x8F2B, s0  }
0xc3: {  	[sflag:s0] =	ssyncadd.remote.s32 $0x1  }
0xc4: {  	_ =	sfence.sel $0xFFFF  }
0xc5: {  	[dreg:$0x0] =	wrdreg $0xFFFFFFFF;
	(pc) =	sbr.abs _section_cstart, $3  }
0xc6: {  	[dreg:$0x1] =	wrdreg $0xFFFFFFFF  }
0xc7: {  	_ =	task.clear_ibuf [dreg:s7], $0x2FFFF;
	_ =	strace $0x9FFFFFFF  }
0xc8: {  	(tm) =	ssettm $0x7FFFFFFF  }
0xc9: {  	_ =	shalt  }
tec
execute0_lowered:
.L_overlay_start_1:
0x0: {  	(tag) =	ssettag $0x1  }
0x1: {  	s1 =	srdreg.scid  }
0x2: {  	s3 =	rddreg [dreg:$0x0];
	s0 =	stileid.u32;
	s11 =	sand.u32 $0x1, s1  }
0x3: {  	s12 =	rddreg [dreg:$0x1];
	s4 =	sshll.u32 s0, $0x5;
	s5 =	sshll.u32 s11, $0x4  }
0x4: {  	s2 =	simm.s32 $0x0;
	s1 =	rddreg [dreg:$0x2];
	s13 =	sor.u32 s5, s4  }
0x5: {  	[smem:$0x7FF] =	sst s2;
	s4 =	sshrl.u32 s13, $0x3  }
0x6: {  	_ =	strace $0x80000047;
	s4 =	sadd.s32 s3, s4;
	s3 =	simm.s32 $0x1  }
0x7: {  	[tilespmem:s2], [sflag:$0x1] =	stream.linear.gather [hbm4b:s4+s2], $0x10, $0x38;
	[tilespmem:$0x1100] =	vst v63  }
0x8: {  	_ =	swait.ge [sflag:s3], $0x10  }
0x9: {  	[sflag:s3] =	ssyncset.done $0x0  }
0xa: {  	s6 =	simm.s32 $0x80;
	s5 =	sadd.s32 $0x29200, s12;
	[sflag:s3] =	ssyncadd.s32 $0xFFFFFFF0  }
0xb: {  	[tilespmem:s6], [sflag:$0x1] =	stream.linear.gather [hbm4b:s5+s2], $0x80, $0x38;
	[tilespmem:$0x1100] =	vst v63  }
0xc: {  	_ =	swait.ge [sflag:s3], $0x80  }
0xd: {  	[sflag:s3] =	ssyncset.done $0x0  }
0xe: {  	[sflag:s3] =	ssyncadd.s32 $0xFFFFFF80  }
0xf: {  	v1 =	vld [tilespmem:$0x80]  }
0x10: {  	v2 =	vld [tilespmem:$0x0];
	_ =	sdelay $0x1  }
0x11: {  	v0 =	vlaneseq.u32  }
0x12: {  	v0 =	vor.u32 s13, v0  }
0x13: {  	vm0 =	vlt.s32 v0, v1  }
0x14: {  	v1 =	vnsel vm0, $0x138C, v2;
	_ =	sdelay $0x3  }
0x15: {  	s8 =	simm.s32 $0x100;
	s7 =	sadd.s32 $0x1800, s12;
	vm0 =	vmmov $0xffff  }
0x16: {  	[tilespmem:s8], [sflag:$0x1] =	stream.indirect_vreg.gather [hbm4b:s7+s2], $0x80, v1, vm0, $0xb8;
	[tilespmem:$0x1100] =	vst v63  }
0x17: {  	_ =	swait.ge [sflag:s3], $0x800  }
0x18: {  	s10 =	simm.s32 $0x900;
	[sflag:s3] =	ssyncset.done $0x0  }
0x19: {  	s9 =	sadd.s32 $0x15200, s12;
	s31 =	ssub.s32 $0x2, s11;
	[sflag:s3] =	ssyncadd.s32 $0xFFFFF800  }
0x1a: {  	[tilespmem:s10], [sflag:$0x1] =	stream.indirect_vreg.gather [hbm4b:s9+s2], $0x80, v1, vm0, $0xb8;
	[tilespmem:$0x1100] =	vst v63  }
0x1b: {  	s14 =	sshrl.u32 s31, $0x1;
	s13 =	sshll.u32 s13, $0x4;
	_ =	swait.ge [sflag:s3], $0x800  }
0x1c: {  	s12 =	sadd.s32 s13, s12;
	s13 =	ssub.s32 s31, s14;
	[sflag:s3] =	ssyncset.done $0x0  }
0x1d: {  	s11 =	sadd.s32 $0x2B400, s12;
	s13 =	smax.u32 s13, $0x1;
	[sflag:s3] =	ssyncadd.s32 $0xFFFFF800  }
0x1e: {  	[hbm4b:s11+s2] =	stream.linear.scatter [tilespmem:s8], [sflag:$0x1], $0x800, $0x38;
	[tilespmem:$0x1100] =	vst v63  }
0x1f: {  	p0 =	sne.s32 s13, $0x1;
	_ =	swait.ge [sflag:s3], $0x800  }
.Ltmp0:
0x20: {  	[sflag:s3] =	ssyncset.done $0x0;
	(pc) =	sbr.rel @!p0 .LBB2_2-.Ltmp0, $4  }
0x21: {  	s12 =	sadd.s32 $0x29400, s12;
	[sflag:s3] =	ssyncadd.s32 $0xFFFFF800  }
0x22: {  	[hbm4b:s12+s2] =	stream.linear.scatter [tilespmem:s10], [sflag:$0x1], $0x800, $0x38;
	[tilespmem:$0x1100] =	vst v63  }
0x23: {  	_ =	swait.ge [sflag:s3], $0x800  }
0x24: {  	s13 =	sadd.s32 $0xFFFFFFFF, s13;
	[sflag:s3] =	ssyncset.done $0x0  }
.LBB2_1:
0x25: {  	p0 =	sne.s32 s13, $0x1;
	s13 =	sadd.s32 $0xFFFFFFFF, s13;
	[sflag:s3] =	ssyncadd.s32 $0xFFFFF800  }
0x26: {  	[tilespmem:s2], [sflag:$0x1] =	stream.linear.gather [hbm4b:s4+s2], $0x10, $0x38;
	[tilespmem:$0x1100] =	vst v63  }
0x27: {  	_ =	swait.ge [sflag:s3], $0x10  }
0x28: {  	[sflag:s3] =	ssyncset.done $0x0  }
0x29: {  	[sflag:s3] =	ssyncadd.s32 $0xFFFFFFF0  }
0x2a: {  	[tilespmem:s6], [sflag:$0x1] =	stream.linear.gather [hbm4b:s5+s2], $0x80, $0x38;
	[tilespmem:$0x1100] =	vst v63  }
0x2b: {  	_ =	swait.ge [sflag:s3], $0x80  }
0x2c: {  	[sflag:s3] =	ssyncset.done $0x0  }
0x2d: {  	[sflag:s3] =	ssyncadd.s32 $0xFFFFFF80  }
0x2e: {  	v1 =	vld [tilespmem:$0x80]  }
0x2f: {  	v2 =	vld [tilespmem:$0x0];
	_ =	sdelay $0x3  }
0x30: {  	vm1 =	vlt.s32 v0, v1  }
0x31: {  	v1 =	vnsel vm1, $0x138C, v2;
	_ =	sdelay $0x4  }
0x32: {  	[tilespmem:s8], [sflag:$0x1] =	stream.indirect_vreg.gather [hbm4b:s7+s2], $0x80, v1, vm0, $0xb8;
	[tilespmem:$0x1100] =	vst v63  }
0x33: {  	_ =	swait.ge [sflag:s3], $0x800  }
0x34: {  	[sflag:s3] =	ssyncset.done $0x0  }
0x35: {  	[sflag:s3] =	ssyncadd.s32 $0xFFFFF800  }
0x36: {  	[tilespmem:s10], [sflag:$0x1] =	stream.indirect_vreg.gather [hbm4b:s9+s2], $0x80, v1, vm0, $0xb8;
	[tilespmem:$0x1100] =	vst v63  }
0x37: {  	_ =	swait.ge [sflag:s3], $0x800  }
0x38: {  	[sflag:s3] =	ssyncset.done $0x0  }
0x39: {  	[sflag:s3] =	ssyncadd.s32 $0xFFFFF800  }
0x3a: {  	[hbm4b:s11+s2] =	stream.linear.scatter [tilespmem:s8], [sflag:$0x1], $0x800, $0x38;
	[tilespmem:$0x1100] =	vst v63  }
0x3b: {  	_ =	swait.ge [sflag:s3], $0x800  }
.Ltmp1:
0x3c: {  	[sflag:s3] =	ssyncset.done $0x0;
	(pc) =	sbr.rel @p0 .LBB2_1-.Ltmp1, $4  }
0x3d: {  	[sflag:s3] =	ssyncadd.s32 $0xFFFFF800  }
0x3e: {  	[hbm4b:s12+s2] =	stream.linear.scatter [tilespmem:s10], [sflag:$0x1], $0x800, $0x38;
	[tilespmem:$0x1100] =	vst v63  }
0x3f: {  	_ =	swait.ge [sflag:s3], $0x800  }
0x40: {  	[sflag:s3] =	ssyncset.done $0x0  }
.LBB2_2:
0x41: {  	[sflag:s3] =	ssyncadd.s32 $0xFFFFF800  }
0x42: {  	_ =	sfence.sel $0x180000  }
0x43: {  	[bflag:$0x0] =	sbarrier.arrive $0xFFFF  }
0x44: {  	p0 =	sne.s32 s0, $0x0;
	_ =	strace $0x90000047  }
0x45: {  	s0 =	sadd.s32 @!p0 $0x100000, s1;
	[bflag:$0x2] =	sbarrier.arrive $0xFFFF  }
0x46: {  	[sflag:s0] =	ssyncadd.tile.s32 @!p0 $0x1;
	_ =	shalt  }
.Lfunc_end2:
_tile_overlayer_lowered:
.L_overlay_start_2:
0x47: {  	(tag) =	ssettag $0x2  }
0x48: {  	s0 =	rddreg [dreg:$0x0];
	s2 =	stileid.u32  }
0x49: {  	s1 =	rddreg [dreg:$0x1];
	p0 =	sne.s32 s2, $0x0  }
0x4a: {  	s3 =	rddreg [dreg:$0x2];
	[bflag:$0x3] =	sbarrier.arrive $0xFFFF;
	s2 =	simm.s32 @!p0 $0x1C01  }
0x4b: {  	[timem:s3], [sflag:s2] =	dma.local @!p0 [hbm:s0], s1  }
0x4c: {  	s0 =	simm.s32 @!p0 $0x1  }
0x4d: {  	_ =	swait.ge @!p0 [sflag:s0], s1  }
0x4e: {  	s1 =	ssub.s32 @!p0 $0x0, s1;
	[sflag:s0] =	ssyncset.done @!p0 $0x0  }
0x4f: {  	[sflag:s0] =	ssyncadd.s32 @!p0 s1  }
0x50: {  	[bflag:$0x3] =	sbarrier.arrive $0xFFFF  }
0x51: {  	_ =	shalt  }

</sc_bundles>
